<compile_context>
chip_gen: v7x
topology: tpu7x:2x2x1
jax: 0.10.2.dev20260603
libtpu: 0.0.44.dev20260713+nightly
codegen_flags: <defaults>
</compile_context>

<pallas_src>
import math

import jax
import jax.numpy as jnp
from jax import lax
from jax.experimental import pallas as pl
from jax.experimental.pallas import tpu as pltpu
from jax.experimental.pallas import tpu_sc as plsc

N = 10000
E = 320000
D = 128
NR = 5
H = 4
EPS = 1e-10
NEG = 0.2

NA = 10240
M = E + N
NW = 32
C2 = 64
C4 = 128
WE = math.ceil(M / (NW * C2)) * C2
MP = WE * NW
ROWS_T = NA // 16

_mesh = lambda: plsc.VectorSubcoreMesh(core_axis_name="c", subcore_axis_name="s")
_params = lambda: pltpu.CompilerParams(needs_layout_passes=False)



def _proj_body(x_ref, w_ref, q_ref, hid_ref, abq_ref):
    xb = x_ref[...]
    wr = w_ref[0]
    hb = lax.dot_general(xb, wr, (((1,), (1,)), ((), ())),
                         preferred_element_type=jnp.float32)
    hid_ref[0] = hb
    abq_ref[0] = jnp.dot(hb, q_ref[0], preferred_element_type=jnp.float32)


def _k1_proj(xp, W_tau, Qc128):
    BN = 1024
    return pl.pallas_call(
        _proj_body,
        grid=(NR, NA // BN),
        in_specs=[
            pl.BlockSpec((BN, D), lambda r, n: (n, 0)),
            pl.BlockSpec((1, D, D), lambda r, n: (r, 0, 0)),
            pl.BlockSpec((1, D, D), lambda r, n: (r, 0, 0)),
        ],
        out_specs=[
            pl.BlockSpec((1, BN, D), lambda r, n: (r, n, 0)),
            pl.BlockSpec((1, BN, D), lambda r, n: (r, n, 0)),
        ],
        out_shape=[
            jax.ShapeDtypeStruct((NR, NA, D), jnp.float32),
            jax.ShapeDtypeStruct((NR, NA, D), jnp.float32),
        ],
    )(xp, W_tau, Qc128)



def _zero_rows(buf_v, nrows):
    def zr(r, c):
        for j in range(D // 16):
            buf_v[r, pl.ds(j * 16, 16)] = jnp.zeros((16,), jnp.float32)
        return c
    lax.fori_loop(0, nrows, zr, 0)


def _sc_pass1_body(abq_hbm, gin_hbm, gout_hbm, dst_hbm, ew_hbm,
                   e_hbm, nc_hbm,
                   gin_v, gout_v, dst_v, ew_v, abin_v, about_v, e_v, e8_v,
                   nb_v, nc_sh, sem):
    cid = lax.axis_index("c")
    sid = lax.axis_index("s")
    wid = sid * 2 + cid
    lane = lax.iota(jnp.int32, 16)

    _zero_rows(nb_v, 64)
    _zero_rows(e8_v, C2)

    def zinit(t, c):
        pltpu.sync_copy(nb_v, nc_sh.at[pl.ds(sid * ROWS_T + t * 64, 64)])
        return c
    lax.fori_loop(0, ROWS_T // 64, zinit, 0)

    def initc(i, c):
        e16 = i * 16 + lane
        plsc.store_scatter(e8_v, [e16, jnp.full((16,), 4, jnp.int32)],
                           jnp.full((16,), 1.0, jnp.float32))
        return c
    lax.fori_loop(0, C2 // 16, initc, 0)
    plsc.subcore_barrier()

    def chunk_body(k, c):
        base = wid * WE + k * C2
        pltpu.sync_copy(gin_hbm.at[pl.ds(base, C2)], gin_v)
        pltpu.sync_copy(gout_hbm.at[pl.ds(base, C2)], gout_v)
        pltpu.sync_copy(dst_hbm.at[pl.ds(base, C2)], dst_v)
        pltpu.sync_copy(ew_hbm.at[pl.ds(base, C2)], ew_v)
        d1 = pltpu.async_copy(abq_hbm.at[gin_v], abin_v, sem)
        d2 = pltpu.async_copy(abq_hbm.at[gout_v], about_v, sem)
        d1.wait()
        d2.wait()

        def grp(i, cc):
            e16 = i * 16 + lane
            ew16 = ew_v[pl.ds(i * 16, 16)]
            for h in range(H):
                h16 = jnp.full((16,), h, jnp.int32)
                a = plsc.load_gather(abin_v, [e16, h16])
                b = plsc.load_gather(about_v, [e16, jnp.full((16,), 4 + h, jnp.int32)])
                w = a + b
                w = jnp.where(w >= 0, w, NEG * w)
                e = jnp.exp(w) * ew16
                e_v[h, pl.ds(i * 16, 16)] = e
                plsc.store_scatter(e8_v, [e16, h16], e)
            return cc
        lax.fori_loop(0, C2 // 16, grp, 0)
        for h in range(H):
            pltpu.sync_copy(e_v.at[h], e_hbm.at[h, pl.ds(base, C2)])
        pltpu.sync_copy(e8_v, nc_sh.at[dst_v], add=True)
        return c
    lax.fori_loop(0, WE // C2, chunk_body, 0)

    plsc.subcore_barrier()

    def wback(t, c):
        r0 = sid * ROWS_T + t * 64
        pltpu.sync_copy(nc_sh.at[pl.ds(r0, 64)], nb_v)
        pltpu.sync_copy(nb_v, nc_hbm.at[cid, pl.ds(r0, 64)])
        return c
    lax.fori_loop(0, ROWS_T // 64, wback, 0)


def _k2_pass1(abq_flat, gin, gout, dst, ew):
    f = pl.kernel(
        _sc_pass1_body,
        out_type=[
            jax.ShapeDtypeStruct((H, MP), jnp.float32),
            jax.ShapeDtypeStruct((2, NA, D), jnp.float32),
        ],
        mesh=_mesh(),
        compiler_params=_params(),
        scratch_types=[
            pltpu.VMEM((C2,), jnp.int32),
            pltpu.VMEM((C2,), jnp.int32),
            pltpu.VMEM((C2,), jnp.int32),
            pltpu.VMEM((C2,), jnp.float32),
            pltpu.VMEM((C2, D), jnp.float32),
            pltpu.VMEM((C2, D), jnp.float32),
            pltpu.VMEM((H, C2), jnp.float32),
            pltpu.VMEM((C2, D), jnp.float32),
            pltpu.VMEM((64, D), jnp.float32),
            pltpu.VMEM_SHARED((NA, D), jnp.float32),
            pltpu.SemaphoreType.DMA,
        ],
    )
    return f(abq_flat, gin, gout, dst, ew)



def _ncmerge_body(nc_ref, o_ref):
    o_ref[...] = nc_ref[0] + nc_ref[1]


def _k3_ncmerge(ncpart):
    BN = 2048
    return pl.pallas_call(
        _ncmerge_body,
        grid=(NA // BN,),
        in_specs=[pl.BlockSpec((2, BN, D), lambda n: (0, n, 0))],
        out_specs=pl.BlockSpec((BN, D), lambda n: (n, 0)),
        out_shape=jax.ShapeDtypeStruct((NA, D), jnp.float32),
    )(ncpart)



def _eexpand_body(e_ref, ex_ref, o_ref):
    o_ref[...] = lax.dot_general(e_ref[...], ex_ref[...],
                                 (((0,), (0,)), ((), ())),
                                 preferred_element_type=jnp.float32)


def _k3b_eexpand(e_buf, ex):
    BN = 2048
    return pl.pallas_call(
        _eexpand_body,
        grid=(MP // BN,),
        in_specs=[
            pl.BlockSpec((H, BN), lambda m: (0, m)),
            pl.BlockSpec((H, D), lambda m: (0, 0)),
        ],
        out_specs=pl.BlockSpec((BN, D), lambda m: (m, 0)),
        out_shape=jax.ShapeDtypeStruct((MP, D), jnp.float32),
    )(e_buf, ex)



def _sc_pass3_body(e128_hbm, dst_hbm, gin_hbm, hid_hbm,
                   upd_hbm,
                   dst_v, gin_v, e128_v, rows_v, ub_v, upd_sh, sem):
    cid = lax.axis_index("c")
    sid = lax.axis_index("s")
    wid = sid * 2 + cid
    lane = lax.iota(jnp.int32, 16)

    _zero_rows(ub_v, 64)

    def zinit(t, c):
        pltpu.sync_copy(ub_v, upd_sh.at[pl.ds(sid * ROWS_T + t * 64, 64)])
        return c
    lax.fori_loop(0, ROWS_T // 64, zinit, 0)
    plsc.subcore_barrier()

    def chunk_body(k, c):
        base = wid * WE + k * C4
        pltpu.sync_copy(dst_hbm.at[pl.ds(base, C4)], dst_v)
        pltpu.sync_copy(gin_hbm.at[pl.ds(base, C4)], gin_v)
        d0 = pltpu.async_copy(e128_hbm.at[pl.ds(base, C4)], e128_v, sem)
        d1 = pltpu.async_copy(hid_hbm.at[gin_v], rows_v, sem)
        d0.wait()
        d1.wait()

        def scale(e, cc):
            for j in range(D // 16):
                r = rows_v[e, pl.ds(j * 16, 16)]
                m = e128_v[e, pl.ds(j * 16, 16)]
                rows_v[e, pl.ds(j * 16, 16)] = r * m
            return cc
        lax.fori_loop(0, C4, scale, 0)
        pltpu.sync_copy(rows_v, upd_sh.at[dst_v], add=True)
        return c
    lax.fori_loop(0, WE // C4, chunk_body, 0)

    plsc.subcore_barrier()

    def wback(t, c):
        r0 = sid * ROWS_T + t * 64
        pltpu.sync_copy(upd_sh.at[pl.ds(r0, 64)], ub_v)
        pltpu.sync_copy(ub_v, upd_hbm.at[cid, pl.ds(r0, 64)])
        return c
    lax.fori_loop(0, ROWS_T // 64, wback, 0)


def _k4_pass3(e128, dst, gin, hid_flat):
    f = pl.kernel(
        _sc_pass3_body,
        out_type=jax.ShapeDtypeStruct((2, NA, D), jnp.float32),
        mesh=_mesh(),
        compiler_params=_params(),
        scratch_types=[
            pltpu.VMEM((C4,), jnp.int32),
            pltpu.VMEM((C4,), jnp.int32),
            pltpu.VMEM((C4, D), jnp.float32),
            pltpu.VMEM((C4, D), jnp.float32),
            pltpu.VMEM((64, D), jnp.float32),
            pltpu.VMEM_SHARED((NA, D), jnp.float32),
            pltpu.SemaphoreType.DMA,
        ],
    )
    return f(e128, dst, gin, hid_flat)



def _final_body(u_ref, nc_ref, ex_ref, o_ref):
    c = jnp.maximum(nc_ref[:, 4], 1.0)
    s4 = nc_ref[:, 0:4]
    sx = jnp.dot(s4, ex_ref[...], preferred_element_type=jnp.float32)
    u = u_ref[0] + u_ref[1]
    o_ref[...] = jnp.maximum(u / (sx + EPS * c[:, None]), 0.0)


def _k5_final(updpart, nc128, ex):
    BN = 1024
    return pl.pallas_call(
        _final_body,
        grid=(NA // BN,),
        in_specs=[
            pl.BlockSpec((2, BN, D), lambda n: (0, n, 0)),
            pl.BlockSpec((BN, D), lambda n: (n, 0)),
            pl.BlockSpec((4, D), lambda n: (0, 0)),
        ],
        out_specs=pl.BlockSpec((BN, D), lambda n: (n, 0)),
        out_shape=jax.ShapeDtypeStruct((NA, D), jnp.float32),
    )(updpart, nc128, ex)



def kernel(x, edge_index, edge_type, edge_weight, W_tau, query):
    xp = jnp.zeros((NA, D), jnp.float32).at[:N].set(x)
    arange_n = jnp.arange(N, dtype=jnp.int32)
    pad = MP - M
    node_in = jnp.concatenate([edge_index[0].astype(jnp.int32), arange_n,
                               jnp.zeros((pad,), jnp.int32)])
    node_out = jnp.concatenate([edge_index[1].astype(jnp.int32), arange_n,
                                jnp.full((pad,), N, jnp.int32)])
    rel = jnp.concatenate([edge_type.astype(jnp.int32),
                           jnp.full((N,), NR - 1, jnp.int32),
                           jnp.zeros((pad,), jnp.int32)])
    ew = jnp.concatenate([edge_weight.astype(jnp.float32),
                          jnp.ones((N,), jnp.float32),
                          jnp.zeros((pad,), jnp.float32)])
    gin = rel * NA + node_in
    gout = rel * NA + node_out

    q = query.reshape(NR, H, 32, 2)
    eye = jnp.eye(D, dtype=jnp.float32)
    Qc128 = (q[..., 0, None] * eye[:4][None, :, None, :] +
             q[..., 1, None] * eye[4:8][None, :, None, :]).reshape(NR, D, D)
    ex = jnp.kron(jnp.eye(H, dtype=jnp.float32),
                  jnp.ones((1, 32), jnp.float32))

    hidden, abq = _k1_proj(xp, W_tau, Qc128)
    e_buf, ncpart = _k2_pass1(abq.reshape(NR * NA, D), gin, gout, node_out, ew)
    nc128 = _k3_ncmerge(ncpart)
    e128 = _k3b_eexpand(e_buf, ex)
    updpart = _k4_pass3(e128, node_out, gin, hidden.reshape(NR * NA, D))
    out = _k5_final(updpart, nc128, ex)
    return out[:N]

# --- scband reference (transcript-rebuilt; emitter-appended) ---
"""Pipeline reference for scband-relational-graph-attention-conv-21766894256814 (READ-ONLY COPY).

The authoritative reference and input builder live on the scoring server;
editing this copy changes nothing except your own understanding.
"""

import jax, jax.numpy as jnp
import numpy as np

N = 10000
E = 320000
D_IN = 128
D_OUT = 128
R = 4  # num_relations; relation R is the self-loop relation
H = 4  # num_head
EPS = 1e-10
NEG_SLOPE = 0.2


def setup_inputs(seed: int = 0) -> dict:
    key = jax.random.key(seed)
    k1, k2, k3, k4, k5 = jax.random.split(key, 5)
    x = jax.random.normal(k1, (N, D_IN), dtype=jnp.float32)
    edge_index = jax.random.randint(k2, (2, E), 0, N, dtype=jnp.int32)
    edge_type = jax.random.randint(k3, (E,), 0, R, dtype=jnp.int32)
    edge_weight = jnp.ones((E,), dtype=jnp.float32)
    # W_tau: xavier_uniform over (R+1, D_OUT, D_IN)
    scale = float(np.sqrt(6.0 / (D_IN + D_OUT)))
    W_tau = jax.random.uniform(k4, (R + 1, D_OUT, D_IN), minval=-scale, maxval=scale, dtype=jnp.float32)
    # query: kaiming_uniform(a=0.2, fan_in) over (R+1, H, 2*D_OUT//H)
    qd = 2 * D_OUT // H
    gain = float(np.sqrt(2.0 / (1.0 + NEG_SLOPE ** 2)))
    bound = gain * float(np.sqrt(3.0 / qd))
    query = jax.random.uniform(k5, (R + 1, H, qd), minval=-bound, maxval=bound, dtype=jnp.float32)
    return {"x": x, "edge_index": edge_index, "edge_type": edge_type,
            "edge_weight": edge_weight, "W_tau": W_tau, "query": query}


def reference(x, edge_index, edge_type, edge_weight, W_tau, query):
    n = x.shape[0]
    h = query.shape[1]
    qd = query.shape[2]
    num_rel = W_tau.shape[0] - 1
    arange_n = jnp.arange(n, dtype=edge_index.dtype)
    node_in = jnp.concatenate([edge_index[0], arange_n])
    node_out = jnp.concatenate([edge_index[1], arange_n])
    relation = jnp.concatenate([edge_type,
                                jnp.full((n,), num_rel, dtype=edge_type.dtype)]).astype(jnp.int32)
    ew = jnp.concatenate([edge_weight, jnp.ones((n,), dtype=x.dtype)])[:, None]
    # hidden[r] = x @ W_tau[r].T  (same math as the per-node bmm in the torch code)
    hidden = jnp.einsum('roi,ni->rno', W_tau, x)
    h_in = hidden[relation, node_in]    # (E+N, D_OUT) gather
    h_out = hidden[relation, node_out]  # (E+N, D_OUT) gather
    key_t = jnp.stack([h_in, h_out], axis=-1).reshape(h_in.shape[0], h, -1)
    w = jnp.einsum('nhd,nhd->nh', query[relation], key_t)
    w = jnp.where(w >= 0, w, NEG_SLOPE * w)  # leaky_relu
    seg_max = jax.ops.segment_max(w, node_out, num_segments=n)
    attention = jnp.exp(w - seg_max[node_out]) * ew
    counts = jax.ops.segment_sum(jnp.ones((attention.shape[0],), dtype=x.dtype), node_out, num_segments=n)
    counts = jnp.maximum(counts, 1.0)[:, None]
    normalizer = (jax.ops.segment_sum(attention, node_out, num_segments=n) / counts)[node_out]
    attention = attention / (normalizer + EPS)
    value = h_in.reshape(-1, h, qd // 2)
    message = (attention[..., None] * value).reshape(attention.shape[0], -1)
    update = jax.ops.segment_sum(message, node_out, num_segments=n) / counts  # scatter_mean
    return jax.nn.relu(update)

if __name__ == "__main__":
    import jax
    _d = setup_inputs()
    print(jax.jit(kernel)(*tuple(_d.values())))

</pallas_src>

<mosaic_0001>
#map = affine_map<(d0, d1) -> (0, 0)>
#map1 = affine_map<(d0, d1) -> (0)>
#map2 = affine_map<(d0, d1) -> (0, 0, 0)>
module attributes {stable_mosaic.version = 14 : i64} {
  func.func @_sc_pass3_body(%arg0: i32, %arg1: i32, %arg2: memref<331776x128xf32, #tpu.memory_space<hbm>>, %arg3: memref<331776xi32, #tpu.memory_space<hbm>>, %arg4: memref<331776xi32, #tpu.memory_space<hbm>>, %arg5: memref<51200x128xf32, #tpu.memory_space<hbm>>, %arg6: memref<2x10240x128xf32, #tpu.memory_space<hbm>>, %arg7: memref<128xi32, #tpu.memory_space<vmem>>, %arg8: memref<128xi32, #tpu.memory_space<vmem>>, %arg9: memref<128x128xf32, #tpu.memory_space<vmem>>, %arg10: memref<128x128xf32, #tpu.memory_space<vmem>>, %arg11: memref<64x128xf32, #tpu.memory_space<vmem>>, %arg12: memref<10240x128xf32, #tpu.memory_space<vmem_shared>>, %arg13: memref<!tpu.dma_semaphore, #tpu.memory_space<semaphore_mem>>) attributes {dimension_semantics = [#tpu.dimension_semantics<core_parallel>, #tpu.dimension_semantics<subcore_parallel>], iteration_bounds = array<i64: 2, 16>, scalar_prefetch = 0 : i64, scratch_operands = 7 : i64, tpu.core_type = #tpu.core_type<sc_vector_subcore>, window_params = [{transform_indices = #map}, {transform_indices = #map1}, {transform_indices = #map1}, {transform_indices = #map}, {transform_indices = #map2}]} {
    %mul3A = arith.constant 2 : i32
    %mul3A_0 = arith.muli %arg1, %mul3A : i32
    %add3A = arith.addi %mul3A_0, %arg0 : i32
    %iota3A = tpu.iota {dimensions = array<i32: 0>} : vector<16xi32>
    %scan3A = arith.constant 0 : i32
    %scan3A_1 = arith.constant 0 : i32
    %scan3A_2 = arith.constant 64 : i32
    %scan3A_3 = arith.addi %scan3A_1, %scan3A_2 : i32
    %scan3A_4 = arith.constant 1 : i32
    scf.for %scan3A_25 = %scan3A_1 to %scan3A_3 step %scan3A_4  : i32 {
      %broadcast_in_dim3A = arith.constant 0.000000e+00 : f32
      %broadcast_in_dim3A_26 = vector.broadcast %broadcast_in_dim3A : f32 to vector<16xf32>
      %swap3A = arith.index_cast %scan3A_25 : i32 to index
      %swap3A_27 = arith.constant 0 : index
      %swap3A_28 = tpu.vector_load %arg11[%swap3A, %swap3A_27] {strides = array<i32>} : memref<64x128xf32, #tpu.memory_space<vmem>>, vector<16xf32>,
      tpu.vector_store %arg11[%swap3A, %swap3A_27], %broadcast_in_dim3A_26 {strides = array<i32>} : memref<64x128xf32, #tpu.memory_space<vmem>>, vector<16xf32>,
      %broadcast_in_dim3A_29 = arith.constant 0.000000e+00 : f32
      %broadcast_in_dim3A_30 = vector.broadcast %broadcast_in_dim3A_29 : f32 to vector<16xf32>
      %swap3A_31 = arith.index_cast %scan3A_25 : i32 to index
      %swap3A_32 = arith.constant 16 : index
      %swap3A_33 = tpu.vector_load %arg11[%swap3A_31, %swap3A_32] {strides = array<i32>} : memref<64x128xf32, #tpu.memory_space<vmem>>, vector<16xf32>,
      tpu.vector_store %arg11[%swap3A_31, %swap3A_32], %broadcast_in_dim3A_30 {strides = array<i32>} : memref<64x128xf32, #tpu.memory_space<vmem>>, vector<16xf32>,
      %broadcast_in_dim3A_34 = arith.constant 0.000000e+00 : f32
      %broadcast_in_dim3A_35 = vector.broadcast %broadcast_in_dim3A_34 : f32 to vector<16xf32>
      %swap3A_36 = arith.index_cast %scan3A_25 : i32 to index
      %swap3A_37 = arith.constant 32 : index
      %swap3A_38 = tpu.vector_load %arg11[%swap3A_36, %swap3A_37] {strides = array<i32>} : memref<64x128xf32, #tpu.memory_space<vmem>>, vector<16xf32>,
      tpu.vector_store %arg11[%swap3A_36, %swap3A_37], %broadcast_in_dim3A_35 {strides = array<i32>} : memref<64x128xf32, #tpu.memory_space<vmem>>, vector<16xf32>,
      %broadcast_in_dim3A_39 = arith.constant 0.000000e+00 : f32
      %broadcast_in_dim3A_40 = vector.broadcast %broadcast_in_dim3A_39 : f32 to vector<16xf32>
      %swap3A_41 = arith.index_cast %scan3A_25 : i32 to index
      %swap3A_42 = arith.constant 48 : index
      %swap3A_43 = tpu.vector_load %arg11[%swap3A_41, %swap3A_42] {strides = array<i32>} : memref<64x128xf32, #tpu.memory_space<vmem>>, vector<16xf32>,
      tpu.vector_store %arg11[%swap3A_41, %swap3A_42], %broadcast_in_dim3A_40 {strides = array<i32>} : memref<64x128xf32, #tpu.memory_space<vmem>>, vector<16xf32>,
      %broadcast_in_dim3A_44 = arith.constant 0.000000e+00 : f32
      %broadcast_in_dim3A_45 = vector.broadcast %broadcast_in_dim3A_44 : f32 to vector<16xf32>
      %swap3A_46 = arith.index_cast %scan3A_25 : i32 to index
      %swap3A_47 = arith.constant 64 : index
      %swap3A_48 = tpu.vector_load %arg11[%swap3A_46, %swap3A_47] {strides = array<i32>} : memref<64x128xf32, #tpu.memory_space<vmem>>, vector<16xf32>,
      tpu.vector_store %arg11[%swap3A_46, %swap3A_47], %broadcast_in_dim3A_45 {strides = array<i32>} : memref<64x128xf32, #tpu.memory_space<vmem>>, vector<16xf32>,
      %broadcast_in_dim3A_49 = arith.constant 0.000000e+00 : f32
      %broadcast_in_dim3A_50 = vector.broadcast %broadcast_in_dim3A_49 : f32 to vector<16xf32>
      %swap3A_51 = arith.index_cast %scan3A_25 : i32 to index
      %swap3A_52 = arith.constant 80 : index
      %swap3A_53 = tpu.vector_load %arg11[%swap3A_51, %swap3A_52] {strides = array<i32>} : memref<64x128xf32, #tpu.memory_space<vmem>>, vector<16xf32>,
      tpu.vector_store %arg11[%swap3A_51, %swap3A_52], %broadcast_in_dim3A_50 {strides = array<i32>} : memref<64x128xf32, #tpu.memory_space<vmem>>, vector<16xf32>,
      %broadcast_in_dim3A_54 = arith.constant 0.000000e+00 : f32
      %broadcast_in_dim3A_55 = vector.broadcast %broadcast_in_dim3A_54 : f32 to vector<16xf32>
      %swap3A_56 = arith.index_cast %scan3A_25 : i32 to index
      %swap3A_57 = arith.constant 96 : index
      %swap3A_58 = tpu.vector_load %arg11[%swap3A_56, %swap3A_57] {strides = array<i32>} : memref<64x128xf32, #tpu.memory_space<vmem>>, vector<16xf32>,
      tpu.vector_store %arg11[%swap3A_56, %swap3A_57], %broadcast_in_dim3A_55 {strides = array<i32>} : memref<64x128xf32, #tpu.memory_space<vmem>>, vector<16xf32>,
      %broadcast_in_dim3A_59 = arith.constant 0.000000e+00 : f32
      %broadcast_in_dim3A_60 = vector.broadcast %broadcast_in_dim3A_59 : f32 to vector<16xf32>
      %swap3A_61 = arith.index_cast %scan3A_25 : i32 to index
      %swap3A_62 = arith.constant 112 : index
      %swap3A_63 = tpu.vector_load %arg11[%swap3A_61, %swap3A_62] {strides = array<i32>} : memref<64x128xf32, #tpu.memory_space<vmem>>, vector<16xf32>,
      tpu.vector_store %arg11[%swap3A_61, %swap3A_62], %broadcast_in_dim3A_60 {strides = array<i32>} : memref<64x128xf32, #tpu.memory_space<vmem>>, vector<16xf32>,
    }
    %scan3A_5 = arith.constant 64 : i32
    %scan3A_6 = arith.constant 0 : i32
    %scan3A_7 = arith.constant 0 : i32
    %scan3A_8 = arith.constant 10 : i32
    %scan3A_9 = arith.addi %scan3A_7, %scan3A_8 : i32
    %scan3A_10 = arith.constant 1 : i32
    scf.for %scan3A_25 = %scan3A_7 to %scan3A_9 step %scan3A_10  : i32 {
      %mul3A_26 = arith.constant 640 : i32
      %mul3A_27 = arith.muli %arg1, %mul3A_26 : i32
      %mul3A_28 = arith.constant 64 : i32
      %mul3A_29 = arith.muli %scan3A_25, %mul3A_28 : i32
      %add3A_30 = arith.addi %mul3A_27, %mul3A_29 : i32
      "tpu.region"() ({
        %run_scoped3A = tpu.sem_alloc : memref<!tpu.dma_semaphore, #tpu.memory_space<semaphore_mem>>
        %dma_start3A = arith.constant 0 : i32
        %dma_start3A_31 = tpu.memref_slice %arg12[%add3A_30, %dma_start3A] : memref<10240x128xf32, #tpu.memory_space<vmem_shared>> -> memref<64x128xf32, #tpu.memory_space<vmem_shared>>
        %dma_start3A_32 = arith.constant 0 : i32
        %dma_start3A_33 = tpu.memref_slice %arg12[%add3A_30, %dma_start3A_32] : memref<10240x128xf32, #tpu.memory_space<vmem_shared>> -> memref<64x128xf32, #tpu.memory_space<vmem_shared>>
        tpu.enqueue_dma source(%arg11 : memref<64x128xf32, #tpu.memory_space<vmem>>) target(%dma_start3A_33 : memref<64x128xf32, #tpu.memory_space<vmem_shared>>) target_semaphore(%run_scoped3A : memref<!tpu.dma_semaphore, #tpu.memory_space<semaphore_mem>>)
        %dma_wait3A = arith.constant 0 : i32
        %dma_wait3A_34 = tpu.memref_slice %arg12[%add3A_30, %dma_wait3A] : memref<10240x128xf32, #tpu.memory_space<vmem_shared>> -> memref<64x128xf32, #tpu.memory_space<vmem_shared>>
        %dma_wait3A_35 = arith.constant 0 : i32
        %dma_wait3A_36 = tpu.memref_slice %arg12[%add3A_30, %dma_wait3A_35] : memref<10240x128xf32, #tpu.memory_space<vmem_shared>> -> memref<64x128xf32, #tpu.memory_space<vmem_shared>>
        tpu.wait_dma2 semaphore(%run_scoped3A : memref<!tpu.dma_semaphore, #tpu.memory_space<semaphore_mem>>) src(%arg11 : memref<64x128xf32, #tpu.memory_space<vmem>>) dst(%dma_wait3A_36 : memref<64x128xf32, #tpu.memory_space<vmem_shared>>)
        tpu.yield
      }) : () -> ()
    }
    %scan3A_11 = arith.constant 10 : i32
    %barrier3A = arith.constant 0 : index
    tpu.barrier barrier_id(%barrier3A)
    %scan3A_12 = arith.constant 0 : i32
    %scan3A_13 = arith.constant 0 : i32
    %scan3A_14 = arith.constant 81 : i32
    %scan3A_15 = arith.addi %scan3A_13, %scan3A_14 : i32
    %scan3A_16 = arith.constant 1 : i32
    scf.for %scan3A_25 = %scan3A_13 to %scan3A_15 step %scan3A_16  : i32 {
      %mul3A_26 = arith.constant 10368 : i32
      %mul3A_27 = arith.muli %add3A, %mul3A_26 : i32
      %mul3A_28 = arith.constant 128 : i32
      %mul3A_29 = arith.muli %scan3A_25, %mul3A_28 : i32
      %add3A_30 = arith.addi %mul3A_27, %mul3A_29 : i32
      "tpu.region"() ({
        %run_scoped3A = tpu.sem_alloc : memref<!tpu.dma_semaphore, #tpu.memory_space<semaphore_mem>>
        %dma_start3A_49 = tpu.memref_slice %arg3[%add3A_30] : memref<331776xi32, #tpu.memory_space<hbm>> -> memref<128xi32, #tpu.memory_space<hbm>>
        %dma_start3A_50 = tpu.memref_slice %arg3[%add3A_30] : memref<331776xi32, #tpu.memory_space<hbm>> -> memref<128xi32, #tpu.memory_space<hbm>>
        tpu.enqueue_dma source(%dma_start3A_50 : memref<128xi32, #tpu.memory_space<hbm>>) target(%arg7 : memref<128xi32, #tpu.memory_space<vmem>>) target_semaphore(%run_scoped3A : memref<!tpu.dma_semaphore, #tpu.memory_space<semaphore_mem>>)
        %dma_wait3A_51 = tpu.memref_slice %arg3[%add3A_30] : memref<331776xi32, #tpu.memory_space<hbm>> -> memref<128xi32, #tpu.memory_space<hbm>>
        %dma_wait3A_52 = tpu.memref_slice %arg3[%add3A_30] : memref<331776xi32, #tpu.memory_space<hbm>> -> memref<128xi32, #tpu.memory_space<hbm>>
        tpu.wait_dma2 semaphore(%run_scoped3A : memref<!tpu.dma_semaphore, #tpu.memory_space<semaphore_mem>>) src(%dma_wait3A_52 : memref<128xi32, #tpu.memory_space<hbm>>) dst(%arg7 : memref<128xi32, #tpu.memory_space<vmem>>)
        tpu.yield
      }) : () -> ()
      "tpu.region"() ({
        %run_scoped3A = tpu.sem_alloc : memref<!tpu.dma_semaphore, #tpu.memory_space<semaphore_mem>>
        %dma_start3A_49 = tpu.memref_slice %arg4[%add3A_30] : memref<331776xi32, #tpu.memory_space<hbm>> -> memref<128xi32, #tpu.memory_space<hbm>>
        %dma_start3A_50 = tpu.memref_slice %arg4[%add3A_30] : memref<331776xi32, #tpu.memory_space<hbm>> -> memref<128xi32, #tpu.memory_space<hbm>>
        tpu.enqueue_dma source(%dma_start3A_50 : memref<128xi32, #tpu.memory_space<hbm>>) target(%arg8 : memref<128xi32, #tpu.memory_space<vmem>>) target_semaphore(%run_scoped3A : memref<!tpu.dma_semaphore, #tpu.memory_space<semaphore_mem>>)
        %dma_wait3A_51 = tpu.memref_slice %arg4[%add3A_30] : memref<331776xi32, #tpu.memory_space<hbm>> -> memref<128xi32, #tpu.memory_space<hbm>>
        %dma_wait3A_52 = tpu.memref_slice %arg4[%add3A_30] : memref<331776xi32, #tpu.memory_space<hbm>> -> memref<128xi32, #tpu.memory_space<hbm>>
        tpu.wait_dma2 semaphore(%run_scoped3A : memref<!tpu.dma_semaphore, #tpu.memory_space<semaphore_mem>>) src(%dma_wait3A_52 : memref<128xi32, #tpu.memory_space<hbm>>) dst(%arg8 : memref<128xi32, #tpu.memory_space<vmem>>)
        tpu.yield
      }) : () -> ()
      %dma_start3A = arith.constant 0 : i32
      %dma_start3A_31 = tpu.memref_slice %arg2[%add3A_30, %dma_start3A] : memref<331776x128xf32, #tpu.memory_space<hbm>> -> memref<128x128xf32, #tpu.memory_space<hbm>>
      %dma_start3A_32 = arith.constant 0 : i32
      %dma_start3A_33 = tpu.memref_slice %arg2[%add3A_30, %dma_start3A_32] : memref<331776x128xf32, #tpu.memory_space<hbm>> -> memref<128x128xf32, #tpu.memory_space<hbm>>
      tpu.enqueue_dma source(%dma_start3A_33 : memref<128x128xf32, #tpu.memory_space<hbm>>) target(%arg9 : memref<128x128xf32, #tpu.memory_space<vmem>>) target_semaphore(%arg13 : memref<!tpu.dma_semaphore, #tpu.memory_space<semaphore_mem>>)
      %dma_start3A_34 = arith.constant 0 : i32
      %dma_start3A_35 = arith.constant 0 : i32
      %dma_start3A_36 = tpu.memref_slice %arg5[%dma_start3A_34, %dma_start3A_35] : memref<51200x128xf32, #tpu.memory_space<hbm>> -> memref<51200x128xf32, #tpu.memory_space<hbm>>
      tpu.enqueue_indirect_dma source(%dma_start3A_36 : memref<51200x128xf32, #tpu.memory_space<hbm>>) target(%arg10 : memref<128x128xf32, #tpu.memory_space<vmem>>) offsets(%arg8 : memref<128xi32, #tpu.memory_space<vmem>>) semaphore(%arg13 : memref<!tpu.dma_semaphore, #tpu.memory_space<semaphore_mem>>)
      %dma_wait3A = arith.constant 0 : i32
      %dma_wait3A_37 = tpu.memref_slice %arg2[%add3A_30, %dma_wait3A] : memref<331776x128xf32, #tpu.memory_space<hbm>> -> memref<128x128xf32, #tpu.memory_space<hbm>>
      %dma_wait3A_38 = arith.constant 0 : i32
      %dma_wait3A_39 = tpu.memref_slice %arg2[%add3A_30, %dma_wait3A_38] : memref<331776x128xf32, #tpu.memory_space<hbm>> -> memref<128x128xf32, #tpu.memory_space<hbm>>
      tpu.wait_dma2 semaphore(%arg13 : memref<!tpu.dma_semaphore, #tpu.memory_space<semaphore_mem>>) src(%dma_wait3A_39 : memref<128x128xf32, #tpu.memory_space<hbm>>) dst(%arg9 : memref<128x128xf32, #tpu.memory_space<vmem>>)
      %dma_wait3A_40 = arith.constant 0 : i32
      %dma_wait3A_41 = arith.constant 0 : i32
      %dma_wait3A_42 = tpu.memref_slice %arg5[%dma_wait3A_40, %dma_wait3A_41] : memref<51200x128xf32, #tpu.memory_space<hbm>> -> memref<51200x128xf32, #tpu.memory_space<hbm>>
      tpu.wait_indirect_dma semaphore(%arg13 : memref<!tpu.dma_semaphore, #tpu.memory_space<semaphore_mem>>) src(%dma_wait3A_42 : memref<51200x128xf32, #tpu.memory_space<hbm>>) dst(%arg10 : memref<128x128xf32, #tpu.memory_space<vmem>>)
      %scan3A_43 = arith.constant 0 : i32
      %scan3A_44 = arith.constant 0 : i32
      %scan3A_45 = arith.constant 128 : i32
      %scan3A_46 = arith.addi %scan3A_44, %scan3A_45 : i32
      %scan3A_47 = arith.constant 1 : i32
      scf.for %scan3A_49 = %scan3A_44 to %scan3A_46 step %scan3A_47  : i32 {
        %get3A = arith.index_cast %scan3A_49 : i32 to index
        %get3A_50 = arith.constant 0 : index
        %get3A_51 = tpu.vector_load %arg10[%get3A, %get3A_50] {strides = array<i32>} : memref<128x128xf32, #tpu.memory_space<vmem>>, vector<16xf32>,
        %get3A_52 = arith.index_cast %scan3A_49 : i32 to index
        %get3A_53 = arith.constant 0 : index
        %get3A_54 = tpu.vector_load %arg9[%get3A_52, %get3A_53] {strides = array<i32>} : memref<128x128xf32, #tpu.memory_space<vmem>>, vector<16xf32>,
        %mul3A_55 = arith.mulf %get3A_51, %get3A_54 : vector<16xf32>
        %swap3A = arith.index_cast %scan3A_49 : i32 to index
        %swap3A_56 = arith.constant 0 : index
        %swap3A_57 = tpu.vector_load %arg10[%swap3A, %swap3A_56] {strides = array<i32>} : memref<128x128xf32, #tpu.memory_space<vmem>>, vector<16xf32>,
        tpu.vector_store %arg10[%swap3A, %swap3A_56], %mul3A_55 {strides = array<i32>} : memref<128x128xf32, #tpu.memory_space<vmem>>, vector<16xf32>,
        %get3A_58 = arith.index_cast %scan3A_49 : i32 to index
        %get3A_59 = arith.constant 16 : index
        %get3A_60 = tpu.vector_load %arg10[%get3A_58, %get3A_59] {strides = array<i32>} : memref<128x128xf32, #tpu.memory_space<vmem>>, vector<16xf32>,
        %get3A_61 = arith.index_cast %scan3A_49 : i32 to index
        %get3A_62 = arith.constant 16 : index
        %get3A_63 = tpu.vector_load %arg9[%get3A_61, %get3A_62] {strides = array<i32>} : memref<128x128xf32, #tpu.memory_space<vmem>>, vector<16xf32>,
        %mul3A_64 = arith.mulf %get3A_60, %get3A_63 : vector<16xf32>
        %swap3A_65 = arith.index_cast %scan3A_49 : i32 to index
        %swap3A_66 = arith.constant 16 : index
        %swap3A_67 = tpu.vector_load %arg10[%swap3A_65, %swap3A_66] {strides = array<i32>} : memref<128x128xf32, #tpu.memory_space<vmem>>, vector<16xf32>,
        tpu.vector_store %arg10[%swap3A_65, %swap3A_66], %mul3A_64 {strides = array<i32>} : memref<128x128xf32, #tpu.memory_space<vmem>>, vector<16xf32>,
        %get3A_68 = arith.index_cast %scan3A_49 : i32 to index
        %get3A_69 = arith.constant 32 : index
        %get3A_70 = tpu.vector_load %arg10[%get3A_68, %get3A_69] {strides = array<i32>} : memref<128x128xf32, #tpu.memory_space<vmem>>, vector<16xf32>,
        %get3A_71 = arith.index_cast %scan3A_49 : i32 to index
        %get3A_72 = arith.constant 32 : index
        %get3A_73 = tpu.vector_load %arg9[%get3A_71, %get3A_72] {strides = array<i32>} : memref<128x128xf32, #tpu.memory_space<vmem>>, vector<16xf32>,
        %mul3A_74 = arith.mulf %get3A_70, %get3A_73 : vector<16xf32>
        %swap3A_75 = arith.index_cast %scan3A_49 : i32 to index
        %swap3A_76 = arith.constant 32 : index
        %swap3A_77 = tpu.vector_load %arg10[%swap3A_75, %swap3A_76] {strides = array<i32>} : memref<128x128xf32, #tpu.memory_space<vmem>>, vector<16xf32>,
        tpu.vector_store %arg10[%swap3A_75, %swap3A_76], %mul3A_74 {strides = array<i32>} : memref<128x128xf32, #tpu.memory_space<vmem>>, vector<16xf32>,
        %get3A_78 = arith.index_cast %scan3A_49 : i32 to index
        %get3A_79 = arith.constant 48 : index
        %get3A_80 = tpu.vector_load %arg10[%get3A_78, %get3A_79] {strides = array<i32>} : memref<128x128xf32, #tpu.memory_space<vmem>>, vector<16xf32>,
        %get3A_81 = arith.index_cast %scan3A_49 : i32 to index
        %get3A_82 = arith.constant 48 : index
        %get3A_83 = tpu.vector_load %arg9[%get3A_81, %get3A_82] {strides = array<i32>} : memref<128x128xf32, #tpu.memory_space<vmem>>, vector<16xf32>,
        %mul3A_84 = arith.mulf %get3A_80, %get3A_83 : vector<16xf32>
        %swap3A_85 = arith.index_cast %scan3A_49 : i32 to index
        %swap3A_86 = arith.constant 48 : index
        %swap3A_87 = tpu.vector_load %arg10[%swap3A_85, %swap3A_86] {strides = array<i32>} : memref<128x128xf32, #tpu.memory_space<vmem>>, vector<16xf32>,
        tpu.vector_store %arg10[%swap3A_85, %swap3A_86], %mul3A_84 {strides = array<i32>} : memref<128x128xf32, #tpu.memory_space<vmem>>, vector<16xf32>,
        %get3A_88 = arith.index_cast %scan3A_49 : i32 to index
        %get3A_89 = arith.constant 64 : index
        %get3A_90 = tpu.vector_load %arg10[%get3A_88, %get3A_89] {strides = array<i32>} : memref<128x128xf32, #tpu.memory_space<vmem>>, vector<16xf32>,
        %get3A_91 = arith.index_cast %scan3A_49 : i32 to index
        %get3A_92 = arith.constant 64 : index
        %get3A_93 = tpu.vector_load %arg9[%get3A_91, %get3A_92] {strides = array<i32>} : memref<128x128xf32, #tpu.memory_space<vmem>>, vector<16xf32>,
        %mul3A_94 = arith.mulf %get3A_90, %get3A_93 : vector<16xf32>
        %swap3A_95 = arith.index_cast %scan3A_49 : i32 to index
        %swap3A_96 = arith.constant 64 : index
        %swap3A_97 = tpu.vector_load %arg10[%swap3A_95, %swap3A_96] {strides = array<i32>} : memref<128x128xf32, #tpu.memory_space<vmem>>, vector<16xf32>,
        tpu.vector_store %arg10[%swap3A_95, %swap3A_96], %mul3A_94 {strides = array<i32>} : memref<128x128xf32, #tpu.memory_space<vmem>>, vector<16xf32>,
        %get3A_98 = arith.index_cast %scan3A_49 : i32 to index
        %get3A_99 = arith.constant 80 : index
        %get3A_100 = tpu.vector_load %arg10[%get3A_98, %get3A_99] {strides = array<i32>} : memref<128x128xf32, #tpu.memory_space<vmem>>, vector<16xf32>,
        %get3A_101 = arith.index_cast %scan3A_49 : i32 to index
        %get3A_102 = arith.constant 80 : index
        %get3A_103 = tpu.vector_load %arg9[%get3A_101, %get3A_102] {strides = array<i32>} : memref<128x128xf32, #tpu.memory_space<vmem>>, vector<16xf32>,
        %mul3A_104 = arith.mulf %get3A_100, %get3A_103 : vector<16xf32>
        %swap3A_105 = arith.index_cast %scan3A_49 : i32 to index
        %swap3A_106 = arith.constant 80 : index
        %swap3A_107 = tpu.vector_load %arg10[%swap3A_105, %swap3A_106] {strides = array<i32>} : memref<128x128xf32, #tpu.memory_space<vmem>>, vector<16xf32>,
        tpu.vector_store %arg10[%swap3A_105, %swap3A_106], %mul3A_104 {strides = array<i32>} : memref<128x128xf32, #tpu.memory_space<vmem>>, vector<16xf32>,
        %get3A_108 = arith.index_cast %scan3A_49 : i32 to index
        %get3A_109 = arith.constant 96 : index
        %get3A_110 = tpu.vector_load %arg10[%get3A_108, %get3A_109] {strides = array<i32>} : memref<128x128xf32, #tpu.memory_space<vmem>>, vector<16xf32>,
        %get3A_111 = arith.index_cast %scan3A_49 : i32 to index
        %get3A_112 = arith.constant 96 : index
        %get3A_113 = tpu.vector_load %arg9[%get3A_111, %get3A_112] {strides = array<i32>} : memref<128x128xf32, #tpu.memory_space<vmem>>, vector<16xf32>,
        %mul3A_114 = arith.mulf %get3A_110, %get3A_113 : vector<16xf32>
        %swap3A_115 = arith.index_cast %scan3A_49 : i32 to index
        %swap3A_116 = arith.constant 96 : index
        %swap3A_117 = tpu.vector_load %arg10[%swap3A_115, %swap3A_116] {strides = array<i32>} : memref<128x128xf32, #tpu.memory_space<vmem>>, vector<16xf32>,
        tpu.vector_store %arg10[%swap3A_115, %swap3A_116], %mul3A_114 {strides = array<i32>} : memref<128x128xf32, #tpu.memory_space<vmem>>, vector<16xf32>,
        %get3A_118 = arith.index_cast %scan3A_49 : i32 to index
        %get3A_119 = arith.constant 112 : index
        %get3A_120 = tpu.vector_load %arg10[%get3A_118, %get3A_119] {strides = array<i32>} : memref<128x128xf32, #tpu.memory_space<vmem>>, vector<16xf32>,
        %get3A_121 = arith.index_cast %scan3A_49 : i32 to index
        %get3A_122 = arith.constant 112 : index
        %get3A_123 = tpu.vector_load %arg9[%get3A_121, %get3A_122] {strides = array<i32>} : memref<128x128xf32, #tpu.memory_space<vmem>>, vector<16xf32>,
        %mul3A_124 = arith.mulf %get3A_120, %get3A_123 : vector<16xf32>
        %swap3A_125 = arith.index_cast %scan3A_49 : i32 to index
        %swap3A_126 = arith.constant 112 : index
        %swap3A_127 = tpu.vector_load %arg10[%swap3A_125, %swap3A_126] {strides = array<i32>} : memref<128x128xf32, #tpu.memory_space<vmem>>, vector<16xf32>,
        tpu.vector_store %arg10[%swap3A_125, %swap3A_126], %mul3A_124 {strides = array<i32>} : memref<128x128xf32, #tpu.memory_space<vmem>>, vector<16xf32>,
      }
      %scan3A_48 = arith.constant 128 : i32
      "tpu.region"() ({
        %run_scoped3A = tpu.sem_alloc : memref<!tpu.dma_semaphore, #tpu.memory_space<semaphore_mem>>
        %dma_start3A_49 = arith.constant 0 : i32
        %dma_start3A_50 = arith.constant 0 : i32
        %dma_start3A_51 = tpu.memref_slice %arg12[%dma_start3A_49, %dma_start3A_50] : memref<10240x128xf32, #tpu.memory_space<vmem_shared>> -> memref<10240x128xf32, #tpu.memory_space<vmem_shared>>
        tpu.enqueue_indirect_dma source(%arg10 : memref<128x128xf32, #tpu.memory_space<vmem>>) target(%dma_start3A_51 : memref<10240x128xf32, #tpu.memory_space<vmem_shared>>) offsets(%arg7 : memref<128xi32, #tpu.memory_space<vmem>>) semaphore(%run_scoped3A : memref<!tpu.dma_semaphore, #tpu.memory_space<semaphore_mem>>) {add = true}
        %dma_wait3A_52 = arith.constant 0 : i32
        %dma_wait3A_53 = arith.constant 0 : i32
        %dma_wait3A_54 = tpu.memref_slice %arg12[%dma_wait3A_52, %dma_wait3A_53] : memref<10240x128xf32, #tpu.memory_space<vmem_shared>> -> memref<10240x128xf32, #tpu.memory_space<vmem_shared>>
        tpu.wait_indirect_dma semaphore(%run_scoped3A : memref<!tpu.dma_semaphore, #tpu.memory_space<semaphore_mem>>) src(%arg10 : memref<128x128xf32, #tpu.memory_space<vmem>>) dst(%dma_wait3A_54 : memref<10240x128xf32, #tpu.memory_space<vmem_shared>>)
        tpu.yield
      }) : () -> ()
    }
    %scan3A_17 = arith.constant 81 : i32
    %barrier3A_18 = arith.constant 0 : index
    tpu.barrier barrier_id(%barrier3A_18)
    %scan3A_19 = arith.constant 0 : i32
    %scan3A_20 = arith.constant 0 : i32
    %scan3A_21 = arith.constant 10 : i32
    %scan3A_22 = arith.addi %scan3A_20, %scan3A_21 : i32
    %scan3A_23 = arith.constant 1 : i32
    scf.for %scan3A_25 = %scan3A_20 to %scan3A_22 step %scan3A_23  : i32 {
      %mul3A_26 = arith.constant 640 : i32
      %mul3A_27 = arith.muli %arg1, %mul3A_26 : i32
      %mul3A_28 = arith.constant 64 : i32
      %mul3A_29 = arith.muli %scan3A_25, %mul3A_28 : i32
      %add3A_30 = arith.addi %mul3A_27, %mul3A_29 : i32
      "tpu.region"() ({
        %run_scoped3A = tpu.sem_alloc : memref<!tpu.dma_semaphore, #tpu.memory_space<semaphore_mem>>
        %dma_start3A = arith.constant 0 : i32
        %dma_start3A_31 = tpu.memref_slice %arg12[%add3A_30, %dma_start3A] : memref<10240x128xf32, #tpu.memory_space<vmem_shared>> -> memref<64x128xf32, #tpu.memory_space<vmem_shared>>
        %dma_start3A_32 = arith.constant 0 : i32
        %dma_start3A_33 = tpu.memref_slice %arg12[%add3A_30, %dma_start3A_32] : memref<10240x128xf32, #tpu.memory_space<vmem_shared>> -> memref<64x128xf32, #tpu.memory_space<vmem_shared>>
        tpu.enqueue_dma source(%dma_start3A_33 : memref<64x128xf32, #tpu.memory_space<vmem_shared>>) target(%arg11 : memref<64x128xf32, #tpu.memory_space<vmem>>) target_semaphore(%run_scoped3A : memref<!tpu.dma_semaphore, #tpu.memory_space<semaphore_mem>>)
        %dma_wait3A = arith.constant 0 : i32
        %dma_wait3A_34 = tpu.memref_slice %arg12[%add3A_30, %dma_wait3A] : memref<10240x128xf32, #tpu.memory_space<vmem_shared>> -> memref<64x128xf32, #tpu.memory_space<vmem_shared>>
        %dma_wait3A_35 = arith.constant 0 : i32
        %dma_wait3A_36 = tpu.memref_slice %arg12[%add3A_30, %dma_wait3A_35] : memref<10240x128xf32, #tpu.memory_space<vmem_shared>> -> memref<64x128xf32, #tpu.memory_space<vmem_shared>>
        tpu.wait_dma2 semaphore(%run_scoped3A : memref<!tpu.dma_semaphore, #tpu.memory_space<semaphore_mem>>) src(%dma_wait3A_36 : memref<64x128xf32, #tpu.memory_space<vmem_shared>>) dst(%arg11 : memref<64x128xf32, #tpu.memory_space<vmem>>)
        tpu.yield
      }) : () -> ()
      "tpu.region"() ({
        %run_scoped3A = tpu.sem_alloc : memref<!tpu.dma_semaphore, #tpu.memory_space<semaphore_mem>>
        %dma_start3A = arith.constant 0 : i32
        %dma_start3A_31 = tpu.memref_slice %arg6[%arg0, %add3A_30, %dma_start3A] : memref<2x10240x128xf32, #tpu.memory_space<hbm>> -> memref<1x64x128xf32, #tpu.memory_space<hbm>>
        %dma_start3A_32 = tpu.memref_squeeze %dma_start3A_31 : memref<1x64x128xf32, #tpu.memory_space<hbm>> -> memref<64x128xf32, #tpu.memory_space<hbm>>
        %dma_start3A_33 = arith.constant 0 : i32
        %dma_start3A_34 = tpu.memref_slice %arg6[%arg0, %add3A_30, %dma_start3A_33] : memref<2x10240x128xf32, #tpu.memory_space<hbm>> -> memref<1x64x128xf32, #tpu.memory_space<hbm>>
        %dma_start3A_35 = tpu.memref_squeeze %dma_start3A_34 : memref<1x64x128xf32, #tpu.memory_space<hbm>> -> memref<64x128xf32, #tpu.memory_space<hbm>>
        tpu.enqueue_dma source(%arg11 : memref<64x128xf32, #tpu.memory_space<vmem>>) target(%dma_start3A_35 : memref<64x128xf32, #tpu.memory_space<hbm>>) target_semaphore(%run_scoped3A : memref<!tpu.dma_semaphore, #tpu.memory_space<semaphore_mem>>)
        %dma_wait3A = arith.constant 0 : i32
        %dma_wait3A_36 = tpu.memref_slice %arg6[%arg0, %add3A_30, %dma_wait3A] : memref<2x10240x128xf32, #tpu.memory_space<hbm>> -> memref<1x64x128xf32, #tpu.memory_space<hbm>>
        %dma_wait3A_37 = tpu.memref_squeeze %dma_wait3A_36 : memref<1x64x128xf32, #tpu.memory_space<hbm>> -> memref<64x128xf32, #tpu.memory_space<hbm>>
        %dma_wait3A_38 = arith.constant 0 : i32
        %dma_wait3A_39 = tpu.memref_slice %arg6[%arg0, %add3A_30, %dma_wait3A_38] : memref<2x10240x128xf32, #tpu.memory_space<hbm>> -> memref<1x64x128xf32, #tpu.memory_space<hbm>>
        %dma_wait3A_40 = tpu.memref_squeeze %dma_wait3A_39 : memref<1x64x128xf32, #tpu.memory_space<hbm>> -> memref<64x128xf32, #tpu.memory_space<hbm>>
        tpu.wait_dma2 semaphore(%run_scoped3A : memref<!tpu.dma_semaphore, #tpu.memory_space<semaphore_mem>>) src(%arg11 : memref<64x128xf32, #tpu.memory_space<vmem>>) dst(%dma_wait3A_40 : memref<64x128xf32, #tpu.memory_space<hbm>>)
        tpu.yield
      }) : () -> ()
    }
    %scan3A_24 = arith.constant 10 : i32
    return
  }
}

#map = affine_map<(d0, d1) -> (0, 0)>
#map1 = affine_map<(d0, d1) -> (0)>
#map2 = affine_map<(d0, d1) -> (0, 0, 0)>
module attributes {stable_mosaic.version = 14 : i64} {
  func.func @_sc_pass1_body(%arg0: i32, %arg1: i32, %arg2: memref<51200x128xf32, #tpu.memory_space<hbm>>, %arg3: memref<331776xi32, #tpu.memory_space<hbm>>, %arg4: memref<331776xi32, #tpu.memory_space<hbm>>, %arg5: memref<331776xi32, #tpu.memory_space<hbm>>, %arg6: memref<331776xf32, #tpu.memory_space<hbm>>, %arg7: memref<4x331776xf32, #tpu.memory_space<hbm>>, %arg8: memref<2x10240x128xf32, #tpu.memory_space<hbm>>, %arg9: memref<64xi32, #tpu.memory_space<vmem>>, %arg10: memref<64xi32, #tpu.memory_space<vmem>>, %arg11: memref<64xi32, #tpu.memory_space<vmem>>, %arg12: memref<64xf32, #tpu.memory_space<vmem>>, %arg13: memref<64x128xf32, #tpu.memory_space<vmem>>, %arg14: memref<64x128xf32, #tpu.memory_space<vmem>>, %arg15: memref<4x64xf32, #tpu.memory_space<vmem>>, %arg16: memref<64x128xf32, #tpu.memory_space<vmem>>, %arg17: memref<64x128xf32, #tpu.memory_space<vmem>>, %arg18: memref<10240x128xf32, #tpu.memory_space<vmem_shared>>, %arg19: memref<!tpu.dma_semaphore, #tpu.memory_space<semaphore_mem>>) attributes {dimension_semantics = [#tpu.dimension_semantics<core_parallel>, #tpu.dimension_semantics<subcore_parallel>], iteration_bounds = array<i64: 2, 16>, scalar_prefetch = 0 : i64, scratch_operands = 11 : i64, tpu.core_type = #tpu.core_type<sc_vector_subcore>, window_params = [{transform_indices = #map}, {transform_indices = #map1}, {transform_indices = #map1}, {transform_indices = #map1}, {transform_indices = #map1}, {transform_indices = #map}, {transform_indices = #map2}]} {
    %mul3A = arith.constant 2 : i32
    %mul3A_0 = arith.muli %arg1, %mul3A : i32
    %add3A = arith.addi %mul3A_0, %arg0 : i32
    %iota3A = tpu.iota {dimensions = array<i32: 0>} : vector<16xi32>
    %scan3A = arith.constant 0 : i32
    %scan3A_1 = arith.constant 0 : i32
    %scan3A_2 = arith.constant 64 : i32
    %scan3A_3 = arith.addi %scan3A_1, %scan3A_2 : i32
    %scan3A_4 = arith.constant 1 : i32
    scf.for %scan3A_37 = %scan3A_1 to %scan3A_3 step %scan3A_4  : i32 {
      %broadcast_in_dim3A = arith.constant 0.000000e+00 : f32
      %broadcast_in_dim3A_38 = vector.broadcast %broadcast_in_dim3A : f32 to vector<16xf32>
      %swap3A = arith.index_cast %scan3A_37 : i32 to index
      %swap3A_39 = arith.constant 0 : index
      %swap3A_40 = tpu.vector_load %arg17[%swap3A, %swap3A_39] {strides = array<i32>} : memref<64x128xf32, #tpu.memory_space<vmem>>, vector<16xf32>,
      tpu.vector_store %arg17[%swap3A, %swap3A_39], %broadcast_in_dim3A_38 {strides = array<i32>} : memref<64x128xf32, #tpu.memory_space<vmem>>, vector<16xf32>,
      %broadcast_in_dim3A_41 = arith.constant 0.000000e+00 : f32
      %broadcast_in_dim3A_42 = vector.broadcast %broadcast_in_dim3A_41 : f32 to vector<16xf32>
      %swap3A_43 = arith.index_cast %scan3A_37 : i32 to index
      %swap3A_44 = arith.constant 16 : index
      %swap3A_45 = tpu.vector_load %arg17[%swap3A_43, %swap3A_44] {strides = array<i32>} : memref<64x128xf32, #tpu.memory_space<vmem>>, vector<16xf32>,
      tpu.vector_store %arg17[%swap3A_43, %swap3A_44], %broadcast_in_dim3A_42 {strides = array<i32>} : memref<64x128xf32, #tpu.memory_space<vmem>>, vector<16xf32>,
      %broadcast_in_dim3A_46 = arith.constant 0.000000e+00 : f32
      %broadcast_in_dim3A_47 = vector.broadcast %broadcast_in_dim3A_46 : f32 to vector<16xf32>
      %swap3A_48 = arith.index_cast %scan3A_37 : i32 to index
      %swap3A_49 = arith.constant 32 : index
      %swap3A_50 = tpu.vector_load %arg17[%swap3A_48, %swap3A_49] {strides = array<i32>} : memref<64x128xf32, #tpu.memory_space<vmem>>, vector<16xf32>,
      tpu.vector_store %arg17[%swap3A_48, %swap3A_49], %broadcast_in_dim3A_47 {strides = array<i32>} : memref<64x128xf32, #tpu.memory_space<vmem>>, vector<16xf32>,
      %broadcast_in_dim3A_51 = arith.constant 0.000000e+00 : f32
      %broadcast_in_dim3A_52 = vector.broadcast %broadcast_in_dim3A_51 : f32 to vector<16xf32>
      %swap3A_53 = arith.index_cast %scan3A_37 : i32 to index
      %swap3A_54 = arith.constant 48 : index
      %swap3A_55 = tpu.vector_load %arg17[%swap3A_53, %swap3A_54] {strides = array<i32>} : memref<64x128xf32, #tpu.memory_space<vmem>>, vector<16xf32>,
      tpu.vector_store %arg17[%swap3A_53, %swap3A_54], %broadcast_in_dim3A_52 {strides = array<i32>} : memref<64x128xf32, #tpu.memory_space<vmem>>, vector<16xf32>,
      %broadcast_in_dim3A_56 = arith.constant 0.000000e+00 : f32
      %broadcast_in_dim3A_57 = vector.broadcast %broadcast_in_dim3A_56 : f32 to vector<16xf32>
      %swap3A_58 = arith.index_cast %scan3A_37 : i32 to index
      %swap3A_59 = arith.constant 64 : index
      %swap3A_60 = tpu.vector_load %arg17[%swap3A_58, %swap3A_59] {strides = array<i32>} : memref<64x128xf32, #tpu.memory_space<vmem>>, vector<16xf32>,
      tpu.vector_store %arg17[%swap3A_58, %swap3A_59], %broadcast_in_dim3A_57 {strides = array<i32>} : memref<64x128xf32, #tpu.memory_space<vmem>>, vector<16xf32>,
      %broadcast_in_dim3A_61 = arith.constant 0.000000e+00 : f32
      %broadcast_in_dim3A_62 = vector.broadcast %broadcast_in_dim3A_61 : f32 to vector<16xf32>
      %swap3A_63 = arith.index_cast %scan3A_37 : i32 to index
      %swap3A_64 = arith.constant 80 : index
      %swap3A_65 = tpu.vector_load %arg17[%swap3A_63, %swap3A_64] {strides = array<i32>} : memref<64x128xf32, #tpu.memory_space<vmem>>, vector<16xf32>,
      tpu.vector_store %arg17[%swap3A_63, %swap3A_64], %broadcast_in_dim3A_62 {strides = array<i32>} : memref<64x128xf32, #tpu.memory_space<vmem>>, vector<16xf32>,
      %broadcast_in_dim3A_66 = arith.constant 0.000000e+00 : f32
      %broadcast_in_dim3A_67 = vector.broadcast %broadcast_in_dim3A_66 : f32 to vector<16xf32>
      %swap3A_68 = arith.index_cast %scan3A_37 : i32 to index
      %swap3A_69 = arith.constant 96 : index
      %swap3A_70 = tpu.vector_load %arg17[%swap3A_68, %swap3A_69] {strides = array<i32>} : memref<64x128xf32, #tpu.memory_space<vmem>>, vector<16xf32>,
      tpu.vector_store %arg17[%swap3A_68, %swap3A_69], %broadcast_in_dim3A_67 {strides = array<i32>} : memref<64x128xf32, #tpu.memory_space<vmem>>, vector<16xf32>,
      %broadcast_in_dim3A_71 = arith.constant 0.000000e+00 : f32
      %broadcast_in_dim3A_72 = vector.broadcast %broadcast_in_dim3A_71 : f32 to vector<16xf32>
      %swap3A_73 = arith.index_cast %scan3A_37 : i32 to index
      %swap3A_74 = arith.constant 112 : index
      %swap3A_75 = tpu.vector_load %arg17[%swap3A_73, %swap3A_74] {strides = array<i32>} : memref<64x128xf32, #tpu.memory_space<vmem>>, vector<16xf32>,
      tpu.vector_store %arg17[%swap3A_73, %swap3A_74], %broadcast_in_dim3A_72 {strides = array<i32>} : memref<64x128xf32, #tpu.memory_space<vmem>>, vector<16xf32>,
    }
    %scan3A_5 = arith.constant 64 : i32
    %scan3A_6 = arith.constant 0 : i32
    %scan3A_7 = arith.constant 0 : i32
    %scan3A_8 = arith.constant 64 : i32
    %scan3A_9 = arith.addi %scan3A_7, %scan3A_8 : i32
    %scan3A_10 = arith.constant 1 : i32
    scf.for %scan3A_37 = %scan3A_7 to %scan3A_9 step %scan3A_10  : i32 {
      %broadcast_in_dim3A = arith.constant 0.000000e+00 : f32
      %broadcast_in_dim3A_38 = vector.broadcast %broadcast_in_dim3A : f32 to vector<16xf32>
      %swap3A = arith.index_cast %scan3A_37 : i32 to index
      %swap3A_39 = arith.constant 0 : index
      %swap3A_40 = tpu.vector_load %arg16[%swap3A, %swap3A_39] {strides = array<i32>} : memref<64x128xf32, #tpu.memory_space<vmem>>, vector<16xf32>,
      tpu.vector_store %arg16[%swap3A, %swap3A_39], %broadcast_in_dim3A_38 {strides = array<i32>} : memref<64x128xf32, #tpu.memory_space<vmem>>, vector<16xf32>,
      %broadcast_in_dim3A_41 = arith.constant 0.000000e+00 : f32
      %broadcast_in_dim3A_42 = vector.broadcast %broadcast_in_dim3A_41 : f32 to vector<16xf32>
      %swap3A_43 = arith.index_cast %scan3A_37 : i32 to index
      %swap3A_44 = arith.constant 16 : index
      %swap3A_45 = tpu.vector_load %arg16[%swap3A_43, %swap3A_44] {strides = array<i32>} : memref<64x128xf32, #tpu.memory_space<vmem>>, vector<16xf32>,
      tpu.vector_store %arg16[%swap3A_43, %swap3A_44], %broadcast_in_dim3A_42 {strides = array<i32>} : memref<64x128xf32, #tpu.memory_space<vmem>>, vector<16xf32>,
      %broadcast_in_dim3A_46 = arith.constant 0.000000e+00 : f32
      %broadcast_in_dim3A_47 = vector.broadcast %broadcast_in_dim3A_46 : f32 to vector<16xf32>
      %swap3A_48 = arith.index_cast %scan3A_37 : i32 to index
      %swap3A_49 = arith.constant 32 : index
      %swap3A_50 = tpu.vector_load %arg16[%swap3A_48, %swap3A_49] {strides = array<i32>} : memref<64x128xf32, #tpu.memory_space<vmem>>, vector<16xf32>,
      tpu.vector_store %arg16[%swap3A_48, %swap3A_49], %broadcast_in_dim3A_47 {strides = array<i32>} : memref<64x128xf32, #tpu.memory_space<vmem>>, vector<16xf32>,
      %broadcast_in_dim3A_51 = arith.constant 0.000000e+00 : f32
      %broadcast_in_dim3A_52 = vector.broadcast %broadcast_in_dim3A_51 : f32 to vector<16xf32>
      %swap3A_53 = arith.index_cast %scan3A_37 : i32 to index
      %swap3A_54 = arith.constant 48 : index
      %swap3A_55 = tpu.vector_load %arg16[%swap3A_53, %swap3A_54] {strides = array<i32>} : memref<64x128xf32, #tpu.memory_space<vmem>>, vector<16xf32>,
      tpu.vector_store %arg16[%swap3A_53, %swap3A_54], %broadcast_in_dim3A_52 {strides = array<i32>} : memref<64x128xf32, #tpu.memory_space<vmem>>, vector<16xf32>,
      %broadcast_in_dim3A_56 = arith.constant 0.000000e+00 : f32
      %broadcast_in_dim3A_57 = vector.broadcast %broadcast_in_dim3A_56 : f32 to vector<16xf32>
      %swap3A_58 = arith.index_cast %scan3A_37 : i32 to index
      %swap3A_59 = arith.constant 64 : index
      %swap3A_60 = tpu.vector_load %arg16[%swap3A_58, %swap3A_59] {strides = array<i32>} : memref<64x128xf32, #tpu.memory_space<vmem>>, vector<16xf32>,
      tpu.vector_store %arg16[%swap3A_58, %swap3A_59], %broadcast_in_dim3A_57 {strides = array<i32>} : memref<64x128xf32, #tpu.memory_space<vmem>>, vector<16xf32>,
      %broadcast_in_dim3A_61 = arith.constant 0.000000e+00 : f32
      %broadcast_in_dim3A_62 = vector.broadcast %broadcast_in_dim3A_61 : f32 to vector<16xf32>
      %swap3A_63 = arith.index_cast %scan3A_37 : i32 to index
      %swap3A_64 = arith.constant 80 : index
      %swap3A_65 = tpu.vector_load %arg16[%swap3A_63, %swap3A_64] {strides = array<i32>} : memref<64x128xf32, #tpu.memory_space<vmem>>, vector<16xf32>,
      tpu.vector_store %arg16[%swap3A_63, %swap3A_64], %broadcast_in_dim3A_62 {strides = array<i32>} : memref<64x128xf32, #tpu.memory_space<vmem>>, vector<16xf32>,
      %broadcast_in_dim3A_66 = arith.constant 0.000000e+00 : f32
      %broadcast_in_dim3A_67 = vector.broadcast %broadcast_in_dim3A_66 : f32 to vector<16xf32>
      %swap3A_68 = arith.index_cast %scan3A_37 : i32 to index
      %swap3A_69 = arith.constant 96 : index
      %swap3A_70 = tpu.vector_load %arg16[%swap3A_68, %swap3A_69] {strides = array<i32>} : memref<64x128xf32, #tpu.memory_space<vmem>>, vector<16xf32>,
      tpu.vector_store %arg16[%swap3A_68, %swap3A_69], %broadcast_in_dim3A_67 {strides = array<i32>} : memref<64x128xf32, #tpu.memory_space<vmem>>, vector<16xf32>,
      %broadcast_in_dim3A_71 = arith.constant 0.000000e+00 : f32
      %broadcast_in_dim3A_72 = vector.broadcast %broadcast_in_dim3A_71 : f32 to vector<16xf32>
      %swap3A_73 = arith.index_cast %scan3A_37 : i32 to index
      %swap3A_74 = arith.constant 112 : index
      %swap3A_75 = tpu.vector_load %arg16[%swap3A_73, %swap3A_74] {strides = array<i32>} : memref<64x128xf32, #tpu.memory_space<vmem>>, vector<16xf32>,
      tpu.vector_store %arg16[%swap3A_73, %swap3A_74], %broadcast_in_dim3A_72 {strides = array<i32>} : memref<64x128xf32, #tpu.memory_space<vmem>>, vector<16xf32>,
    }
    %scan3A_11 = arith.constant 64 : i32
    %scan3A_12 = arith.constant 0 : i32
    %scan3A_13 = arith.constant 0 : i32
    %scan3A_14 = arith.constant 10 : i32
    %scan3A_15 = arith.addi %scan3A_13, %scan3A_14 : i32
    %scan3A_16 = arith.constant 1 : i32
    scf.for %scan3A_37 = %scan3A_13 to %scan3A_15 step %scan3A_16  : i32 {
      %mul3A_38 = arith.constant 640 : i32
      %mul3A_39 = arith.muli %arg1, %mul3A_38 : i32
      %mul3A_40 = arith.constant 64 : i32
      %mul3A_41 = arith.muli %scan3A_37, %mul3A_40 : i32
      %add3A_42 = arith.addi %mul3A_39, %mul3A_41 : i32
      "tpu.region"() ({
        %run_scoped3A = tpu.sem_alloc : memref<!tpu.dma_semaphore, #tpu.memory_space<semaphore_mem>>
        %dma_start3A = arith.constant 0 : i32
        %dma_start3A_43 = tpu.memref_slice %arg18[%add3A_42, %dma_start3A] : memref<10240x128xf32, #tpu.memory_space<vmem_shared>> -> memref<64x128xf32, #tpu.memory_space<vmem_shared>>
        %dma_start3A_44 = arith.constant 0 : i32
        %dma_start3A_45 = tpu.memref_slice %arg18[%add3A_42, %dma_start3A_44] : memref<10240x128xf32, #tpu.memory_space<vmem_shared>> -> memref<64x128xf32, #tpu.memory_space<vmem_shared>>
        tpu.enqueue_dma source(%arg17 : memref<64x128xf32, #tpu.memory_space<vmem>>) target(%dma_start3A_45 : memref<64x128xf32, #tpu.memory_space<vmem_shared>>) target_semaphore(%run_scoped3A : memref<!tpu.dma_semaphore, #tpu.memory_space<semaphore_mem>>)
        %dma_wait3A = arith.constant 0 : i32
        %dma_wait3A_46 = tpu.memref_slice %arg18[%add3A_42, %dma_wait3A] : memref<10240x128xf32, #tpu.memory_space<vmem_shared>> -> memref<64x128xf32, #tpu.memory_space<vmem_shared>>
        %dma_wait3A_47 = arith.constant 0 : i32
        %dma_wait3A_48 = tpu.memref_slice %arg18[%add3A_42, %dma_wait3A_47] : memref<10240x128xf32, #tpu.memory_space<vmem_shared>> -> memref<64x128xf32, #tpu.memory_space<vmem_shared>>
        tpu.wait_dma2 semaphore(%run_scoped3A : memref<!tpu.dma_semaphore, #tpu.memory_space<semaphore_mem>>) src(%arg17 : memref<64x128xf32, #tpu.memory_space<vmem>>) dst(%dma_wait3A_48 : memref<64x128xf32, #tpu.memory_space<vmem_shared>>)
        tpu.yield
      }) : () -> ()
    }
    %scan3A_17 = arith.constant 10 : i32
    %scan3A_18 = arith.constant 0 : i32
    %scan3A_19 = arith.constant 0 : i32
    %scan3A_20 = arith.constant 4 : i32
    %scan3A_21 = arith.addi %scan3A_19, %scan3A_20 : i32
    %scan3A_22 = arith.constant 1 : i32
    scf.for %scan3A_37 = %scan3A_19 to %scan3A_21 step %scan3A_22  : i32 {
      %mul3A_38 = arith.constant 16 : i32
      %mul3A_39 = arith.muli %scan3A_37, %mul3A_38 : i32
      %add3A_40 = vector.broadcast %mul3A_39 : i32 to vector<16xi32>
      %add3A_41 = arith.addi %add3A_40, %iota3A : vector<16xi32>
      %broadcast_in_dim3A = arith.constant 4 : i32
      %broadcast_in_dim3A_42 = vector.broadcast %broadcast_in_dim3A : i32 to vector<16xi32>
      %broadcast_in_dim3A_43 = arith.constant 1.000000e+00 : f32
      %broadcast_in_dim3A_44 = vector.broadcast %broadcast_in_dim3A_43 : f32 to vector<16xf32>
      tpu.vector_store_idx %arg16[%add3A_41, %broadcast_in_dim3A_42], %broadcast_in_dim3A_44 : memref<64x128xf32, #tpu.memory_space<vmem>>[vector<16xi32>, vector<16xi32>], vector<16xf32>,
    }
    %scan3A_23 = arith.constant 4 : i32
    %barrier3A = arith.constant 0 : index
    tpu.barrier barrier_id(%barrier3A)
    %scan3A_24 = arith.constant 0 : i32
    %scan3A_25 = arith.constant 0 : i32
    %scan3A_26 = arith.constant 162 : i32
    %scan3A_27 = arith.addi %scan3A_25, %scan3A_26 : i32
    %scan3A_28 = arith.constant 1 : i32
    scf.for %scan3A_37 = %scan3A_25 to %scan3A_27 step %scan3A_28  : i32 {
      %mul3A_38 = arith.constant 10368 : i32
      %mul3A_39 = arith.muli %add3A, %mul3A_38 : i32
      %mul3A_40 = arith.constant 64 : i32
      %mul3A_41 = arith.muli %scan3A_37, %mul3A_40 : i32
      %add3A_42 = arith.addi %mul3A_39, %mul3A_41 : i32
      "tpu.region"() ({
        %run_scoped3A_66 = tpu.sem_alloc : memref<!tpu.dma_semaphore, #tpu.memory_space<semaphore_mem>>
        %dma_start3A_67 = tpu.memref_slice %arg3[%add3A_42] : memref<331776xi32, #tpu.memory_space<hbm>> -> memref<64xi32, #tpu.memory_space<hbm>>
        %dma_start3A_68 = tpu.memref_slice %arg3[%add3A_42] : memref<331776xi32, #tpu.memory_space<hbm>> -> memref<64xi32, #tpu.memory_space<hbm>>
        tpu.enqueue_dma source(%dma_start3A_68 : memref<64xi32, #tpu.memory_space<hbm>>) target(%arg9 : memref<64xi32, #tpu.memory_space<vmem>>) target_semaphore(%run_scoped3A_66 : memref<!tpu.dma_semaphore, #tpu.memory_space<semaphore_mem>>)
        %dma_wait3A_69 = tpu.memref_slice %arg3[%add3A_42] : memref<331776xi32, #tpu.memory_space<hbm>> -> memref<64xi32, #tpu.memory_space<hbm>>
        %dma_wait3A_70 = tpu.memref_slice %arg3[%add3A_42] : memref<331776xi32, #tpu.memory_space<hbm>> -> memref<64xi32, #tpu.memory_space<hbm>>
        tpu.wait_dma2 semaphore(%run_scoped3A_66 : memref<!tpu.dma_semaphore, #tpu.memory_space<semaphore_mem>>) src(%dma_wait3A_70 : memref<64xi32, #tpu.memory_space<hbm>>) dst(%arg9 : memref<64xi32, #tpu.memory_space<vmem>>)
        tpu.yield
      }) : () -> ()
      "tpu.region"() ({
        %run_scoped3A_66 = tpu.sem_alloc : memref<!tpu.dma_semaphore, #tpu.memory_space<semaphore_mem>>
        %dma_start3A_67 = tpu.memref_slice %arg4[%add3A_42] : memref<331776xi32, #tpu.memory_space<hbm>> -> memref<64xi32, #tpu.memory_space<hbm>>
        %dma_start3A_68 = tpu.memref_slice %arg4[%add3A_42] : memref<331776xi32, #tpu.memory_space<hbm>> -> memref<64xi32, #tpu.memory_space<hbm>>
        tpu.enqueue_dma source(%dma_start3A_68 : memref<64xi32, #tpu.memory_space<hbm>>) target(%arg10 : memref<64xi32, #tpu.memory_space<vmem>>) target_semaphore(%run_scoped3A_66 : memref<!tpu.dma_semaphore, #tpu.memory_space<semaphore_mem>>)
        %dma_wait3A_69 = tpu.memref_slice %arg4[%add3A_42] : memref<331776xi32, #tpu.memory_space<hbm>> -> memref<64xi32, #tpu.memory_space<hbm>>
        %dma_wait3A_70 = tpu.memref_slice %arg4[%add3A_42] : memref<331776xi32, #tpu.memory_space<hbm>> -> memref<64xi32, #tpu.memory_space<hbm>>
        tpu.wait_dma2 semaphore(%run_scoped3A_66 : memref<!tpu.dma_semaphore, #tpu.memory_space<semaphore_mem>>) src(%dma_wait3A_70 : memref<64xi32, #tpu.memory_space<hbm>>) dst(%arg10 : memref<64xi32, #tpu.memory_space<vmem>>)
        tpu.yield
      }) : () -> ()
      "tpu.region"() ({
        %run_scoped3A_66 = tpu.sem_alloc : memref<!tpu.dma_semaphore, #tpu.memory_space<semaphore_mem>>
        %dma_start3A_67 = tpu.memref_slice %arg5[%add3A_42] : memref<331776xi32, #tpu.memory_space<hbm>> -> memref<64xi32, #tpu.memory_space<hbm>>
        %dma_start3A_68 = tpu.memref_slice %arg5[%add3A_42] : memref<331776xi32, #tpu.memory_space<hbm>> -> memref<64xi32, #tpu.memory_space<hbm>>
        tpu.enqueue_dma source(%dma_start3A_68 : memref<64xi32, #tpu.memory_space<hbm>>) target(%arg11 : memref<64xi32, #tpu.memory_space<vmem>>) target_semaphore(%run_scoped3A_66 : memref<!tpu.dma_semaphore, #tpu.memory_space<semaphore_mem>>)
        %dma_wait3A_69 = tpu.memref_slice %arg5[%add3A_42] : memref<331776xi32, #tpu.memory_space<hbm>> -> memref<64xi32, #tpu.memory_space<hbm>>
        %dma_wait3A_70 = tpu.memref_slice %arg5[%add3A_42] : memref<331776xi32, #tpu.memory_space<hbm>> -> memref<64xi32, #tpu.memory_space<hbm>>
        tpu.wait_dma2 semaphore(%run_scoped3A_66 : memref<!tpu.dma_semaphore, #tpu.memory_space<semaphore_mem>>) src(%dma_wait3A_70 : memref<64xi32, #tpu.memory_space<hbm>>) dst(%arg11 : memref<64xi32, #tpu.memory_space<vmem>>)
        tpu.yield
      }) : () -> ()
      "tpu.region"() ({
        %run_scoped3A_66 = tpu.sem_alloc : memref<!tpu.dma_semaphore, #tpu.memory_space<semaphore_mem>>
        %dma_start3A_67 = tpu.memref_slice %arg6[%add3A_42] : memref<331776xf32, #tpu.memory_space<hbm>> -> memref<64xf32, #tpu.memory_space<hbm>>
        %dma_start3A_68 = tpu.memref_slice %arg6[%add3A_42] : memref<331776xf32, #tpu.memory_space<hbm>> -> memref<64xf32, #tpu.memory_space<hbm>>
        tpu.enqueue_dma source(%dma_start3A_68 : memref<64xf32, #tpu.memory_space<hbm>>) target(%arg12 : memref<64xf32, #tpu.memory_space<vmem>>) target_semaphore(%run_scoped3A_66 : memref<!tpu.dma_semaphore, #tpu.memory_space<semaphore_mem>>)
        %dma_wait3A_69 = tpu.memref_slice %arg6[%add3A_42] : memref<331776xf32, #tpu.memory_space<hbm>> -> memref<64xf32, #tpu.memory_space<hbm>>
        %dma_wait3A_70 = tpu.memref_slice %arg6[%add3A_42] : memref<331776xf32, #tpu.memory_space<hbm>> -> memref<64xf32, #tpu.memory_space<hbm>>
        tpu.wait_dma2 semaphore(%run_scoped3A_66 : memref<!tpu.dma_semaphore, #tpu.memory_space<semaphore_mem>>) src(%dma_wait3A_70 : memref<64xf32, #tpu.memory_space<hbm>>) dst(%arg12 : memref<64xf32, #tpu.memory_space<vmem>>)
        tpu.yield
      }) : () -> ()
      %dma_start3A = arith.constant 0 : i32
      %dma_start3A_43 = arith.constant 0 : i32
      %dma_start3A_44 = tpu.memref_slice %arg2[%dma_start3A, %dma_start3A_43] : memref<51200x128xf32, #tpu.memory_space<hbm>> -> memref<51200x128xf32, #tpu.memory_space<hbm>>
      tpu.enqueue_indirect_dma source(%dma_start3A_44 : memref<51200x128xf32, #tpu.memory_space<hbm>>) target(%arg13 : memref<64x128xf32, #tpu.memory_space<vmem>>) offsets(%arg9 : memref<64xi32, #tpu.memory_space<vmem>>) semaphore(%arg19 : memref<!tpu.dma_semaphore, #tpu.memory_space<semaphore_mem>>)
      %dma_start3A_45 = arith.constant 0 : i32
      %dma_start3A_46 = arith.constant 0 : i32
      %dma_start3A_47 = tpu.memref_slice %arg2[%dma_start3A_45, %dma_start3A_46] : memref<51200x128xf32, #tpu.memory_space<hbm>> -> memref<51200x128xf32, #tpu.memory_space<hbm>>
      tpu.enqueue_indirect_dma source(%dma_start3A_47 : memref<51200x128xf32, #tpu.memory_space<hbm>>) target(%arg14 : memref<64x128xf32, #tpu.memory_space<vmem>>) offsets(%arg10 : memref<64xi32, #tpu.memory_space<vmem>>) semaphore(%arg19 : memref<!tpu.dma_semaphore, #tpu.memory_space<semaphore_mem>>)
      %dma_wait3A = arith.constant 0 : i32
      %dma_wait3A_48 = arith.constant 0 : i32
      %dma_wait3A_49 = tpu.memref_slice %arg2[%dma_wait3A, %dma_wait3A_48] : memref<51200x128xf32, #tpu.memory_space<hbm>> -> memref<51200x128xf32, #tpu.memory_space<hbm>>
      tpu.wait_indirect_dma semaphore(%arg19 : memref<!tpu.dma_semaphore, #tpu.memory_space<semaphore_mem>>) src(%dma_wait3A_49 : memref<51200x128xf32, #tpu.memory_space<hbm>>) dst(%arg13 : memref<64x128xf32, #tpu.memory_space<vmem>>)
      %dma_wait3A_50 = arith.constant 0 : i32
      %dma_wait3A_51 = arith.constant 0 : i32
      %dma_wait3A_52 = tpu.memref_slice %arg2[%dma_wait3A_50, %dma_wait3A_51] : memref<51200x128xf32, #tpu.memory_space<hbm>> -> memref<51200x128xf32, #tpu.memory_space<hbm>>
      tpu.wait_indirect_dma semaphore(%arg19 : memref<!tpu.dma_semaphore, #tpu.memory_space<semaphore_mem>>) src(%dma_wait3A_52 : memref<51200x128xf32, #tpu.memory_space<hbm>>) dst(%arg14 : memref<64x128xf32, #tpu.memory_space<vmem>>)
      %scan3A_53 = arith.constant 0 : i32
      %scan3A_54 = arith.constant 0 : i32
      %scan3A_55 = arith.constant 4 : i32
      %scan3A_56 = arith.addi %scan3A_54, %scan3A_55 : i32
      %scan3A_57 = arith.constant 1 : i32
      scf.for %scan3A_66 = %scan3A_54 to %scan3A_56 step %scan3A_57  : i32 {
        %mul3A_67 = arith.constant 16 : i32
        %mul3A_68 = arith.muli %scan3A_66, %mul3A_67 : i32
        %add3A_69 = vector.broadcast %mul3A_68 : i32 to vector<16xi32>
        %add3A_70 = arith.addi %add3A_69, %iota3A : vector<16xi32>
        %mul3A_71 = arith.constant 16 : i32
        %mul3A_72 = arith.muli %scan3A_66, %mul3A_71 : i32
        %get3A = arith.index_cast %mul3A_72 : i32 to index
        %get3A_73 = tpu.vector_load %arg12[%get3A] {strides = array<i32>} : memref<64xf32, #tpu.memory_space<vmem>>, vector<16xf32>,
        %broadcast_in_dim3A = arith.constant 0 : i32
        %broadcast_in_dim3A_74 = vector.broadcast %broadcast_in_dim3A : i32 to vector<16xi32>
        %gather3A = tpu.vector_load_idx %arg13[%add3A_70, %broadcast_in_dim3A_74] : memref<64x128xf32, #tpu.memory_space<vmem>>[vector<16xi32>, vector<16xi32>], vector<16xf32>,
        %broadcast_in_dim3A_75 = arith.constant 4 : i32
        %broadcast_in_dim3A_76 = vector.broadcast %broadcast_in_dim3A_75 : i32 to vector<16xi32>
        %gather3A_77 = tpu.vector_load_idx %arg14[%add3A_70, %broadcast_in_dim3A_76] : memref<64x128xf32, #tpu.memory_space<vmem>>[vector<16xi32>, vector<16xi32>], vector<16xf32>,
        %add3A_78 = arith.addf %gather3A, %gather3A_77 : vector<16xf32>
        %ge3A = arith.constant 0.000000e+00 : f32
        %ge3A_79 = vector.broadcast %ge3A : f32 to vector<16xf32>
        %ge3A_80 = arith.cmpf oge, %add3A_78, %ge3A_79 : vector<16xf32>
        %mul3A_81 = arith.constant 2.000000e-01 : f32
        %mul3A_82 = vector.broadcast %mul3A_81 : f32 to vector<16xf32>
        %mul3A_83 = arith.mulf %mul3A_82, %add3A_78 : vector<16xf32>
        %select_n3A = arith.select %ge3A_80, %add3A_78, %mul3A_83 : vector<16xi1>, vector<16xf32>
        %exp3A = math.exp %select_n3A : vector<16xf32>
        %mul3A_84 = arith.mulf %exp3A, %get3A_73 : vector<16xf32>
        %mul3A_85 = arith.constant 16 : i32
        %mul3A_86 = arith.muli %scan3A_66, %mul3A_85 : i32
        %swap3A = arith.constant 0 : i32
        %swap3A_87 = arith.index_cast %swap3A : i32 to index
        %swap3A_88 = arith.index_cast %mul3A_86 : i32 to index
        %swap3A_89 = tpu.vector_load %arg15[%swap3A_87, %swap3A_88] {strides = array<i32>} : memref<4x64xf32, #tpu.memory_space<vmem>>, vector<16xf32>,
        tpu.vector_store %arg15[%swap3A_87, %swap3A_88], %mul3A_84 {strides = array<i32>} : memref<4x64xf32, #tpu.memory_space<vmem>>, vector<16xf32>,
        tpu.vector_store_idx %arg16[%add3A_70, %broadcast_in_dim3A_74], %mul3A_84 : memref<64x128xf32, #tpu.memory_space<vmem>>[vector<16xi32>, vector<16xi32>], vector<16xf32>,
        %broadcast_in_dim3A_90 = arith.constant 1 : i32
        %broadcast_in_dim3A_91 = vector.broadcast %broadcast_in_dim3A_90 : i32 to vector<16xi32>
        %gather3A_92 = tpu.vector_load_idx %arg13[%add3A_70, %broadcast_in_dim3A_91] : memref<64x128xf32, #tpu.memory_space<vmem>>[vector<16xi32>, vector<16xi32>], vector<16xf32>,
        %broadcast_in_dim3A_93 = arith.constant 5 : i32
        %broadcast_in_dim3A_94 = vector.broadcast %broadcast_in_dim3A_93 : i32 to vector<16xi32>
        %gather3A_95 = tpu.vector_load_idx %arg14[%add3A_70, %broadcast_in_dim3A_94] : memref<64x128xf32, #tpu.memory_space<vmem>>[vector<16xi32>, vector<16xi32>], vector<16xf32>,
        %add3A_96 = arith.addf %gather3A_92, %gather3A_95 : vector<16xf32>
        %ge3A_97 = arith.constant 0.000000e+00 : f32
        %ge3A_98 = vector.broadcast %ge3A_97 : f32 to vector<16xf32>
        %ge3A_99 = arith.cmpf oge, %add3A_96, %ge3A_98 : vector<16xf32>
        %mul3A_100 = arith.constant 2.000000e-01 : f32
        %mul3A_101 = vector.broadcast %mul3A_100 : f32 to vector<16xf32>
        %mul3A_102 = arith.mulf %mul3A_101, %add3A_96 : vector<16xf32>
        %select_n3A_103 = arith.select %ge3A_99, %add3A_96, %mul3A_102 : vector<16xi1>, vector<16xf32>
        %exp3A_104 = math.exp %select_n3A_103 : vector<16xf32>
        %mul3A_105 = arith.mulf %exp3A_104, %get3A_73 : vector<16xf32>
        %mul3A_106 = arith.constant 16 : i32
        %mul3A_107 = arith.muli %scan3A_66, %mul3A_106 : i32
        %swap3A_108 = arith.constant 1 : i32
        %swap3A_109 = arith.index_cast %swap3A_108 : i32 to index
        %swap3A_110 = arith.index_cast %mul3A_107 : i32 to index
        %swap3A_111 = tpu.vector_load %arg15[%swap3A_109, %swap3A_110] {strides = array<i32>} : memref<4x64xf32, #tpu.memory_space<vmem>>, vector<16xf32>,
        tpu.vector_store %arg15[%swap3A_109, %swap3A_110], %mul3A_105 {strides = array<i32>} : memref<4x64xf32, #tpu.memory_space<vmem>>, vector<16xf32>,
        tpu.vector_store_idx %arg16[%add3A_70, %broadcast_in_dim3A_91], %mul3A_105 : memref<64x128xf32, #tpu.memory_space<vmem>>[vector<16xi32>, vector<16xi32>], vector<16xf32>,
        %broadcast_in_dim3A_112 = arith.constant 2 : i32
        %broadcast_in_dim3A_113 = vector.broadcast %broadcast_in_dim3A_112 : i32 to vector<16xi32>
        %gather3A_114 = tpu.vector_load_idx %arg13[%add3A_70, %broadcast_in_dim3A_113] : memref<64x128xf32, #tpu.memory_space<vmem>>[vector<16xi32>, vector<16xi32>], vector<16xf32>,
        %broadcast_in_dim3A_115 = arith.constant 6 : i32
        %broadcast_in_dim3A_116 = vector.broadcast %broadcast_in_dim3A_115 : i32 to vector<16xi32>
        %gather3A_117 = tpu.vector_load_idx %arg14[%add3A_70, %broadcast_in_dim3A_116] : memref<64x128xf32, #tpu.memory_space<vmem>>[vector<16xi32>, vector<16xi32>], vector<16xf32>,
        %add3A_118 = arith.addf %gather3A_114, %gather3A_117 : vector<16xf32>
        %ge3A_119 = arith.constant 0.000000e+00 : f32
        %ge3A_120 = vector.broadcast %ge3A_119 : f32 to vector<16xf32>
        %ge3A_121 = arith.cmpf oge, %add3A_118, %ge3A_120 : vector<16xf32>
        %mul3A_122 = arith.constant 2.000000e-01 : f32
        %mul3A_123 = vector.broadcast %mul3A_122 : f32 to vector<16xf32>
        %mul3A_124 = arith.mulf %mul3A_123, %add3A_118 : vector<16xf32>
        %select_n3A_125 = arith.select %ge3A_121, %add3A_118, %mul3A_124 : vector<16xi1>, vector<16xf32>
        %exp3A_126 = math.exp %select_n3A_125 : vector<16xf32>
        %mul3A_127 = arith.mulf %exp3A_126, %get3A_73 : vector<16xf32>
        %mul3A_128 = arith.constant 16 : i32
        %mul3A_129 = arith.muli %scan3A_66, %mul3A_128 : i32
        %swap3A_130 = arith.constant 2 : i32
        %swap3A_131 = arith.index_cast %swap3A_130 : i32 to index
        %swap3A_132 = arith.index_cast %mul3A_129 : i32 to index
        %swap3A_133 = tpu.vector_load %arg15[%swap3A_131, %swap3A_132] {strides = array<i32>} : memref<4x64xf32, #tpu.memory_space<vmem>>, vector<16xf32>,
        tpu.vector_store %arg15[%swap3A_131, %swap3A_132], %mul3A_127 {strides = array<i32>} : memref<4x64xf32, #tpu.memory_space<vmem>>, vector<16xf32>,
        tpu.vector_store_idx %arg16[%add3A_70, %broadcast_in_dim3A_113], %mul3A_127 : memref<64x128xf32, #tpu.memory_space<vmem>>[vector<16xi32>, vector<16xi32>], vector<16xf32>,
        %broadcast_in_dim3A_134 = arith.constant 3 : i32
        %broadcast_in_dim3A_135 = vector.broadcast %broadcast_in_dim3A_134 : i32 to vector<16xi32>
        %gather3A_136 = tpu.vector_load_idx %arg13[%add3A_70, %broadcast_in_dim3A_135] : memref<64x128xf32, #tpu.memory_space<vmem>>[vector<16xi32>, vector<16xi32>], vector<16xf32>,
        %broadcast_in_dim3A_137 = arith.constant 7 : i32
        %broadcast_in_dim3A_138 = vector.broadcast %broadcast_in_dim3A_137 : i32 to vector<16xi32>
        %gather3A_139 = tpu.vector_load_idx %arg14[%add3A_70, %broadcast_in_dim3A_138] : memref<64x128xf32, #tpu.memory_space<vmem>>[vector<16xi32>, vector<16xi32>], vector<16xf32>,
        %add3A_140 = arith.addf %gather3A_136, %gather3A_139 : vector<16xf32>
        %ge3A_141 = arith.constant 0.000000e+00 : f32
        %ge3A_142 = vector.broadcast %ge3A_141 : f32 to vector<16xf32>
        %ge3A_143 = arith.cmpf oge, %add3A_140, %ge3A_142 : vector<16xf32>
        %mul3A_144 = arith.constant 2.000000e-01 : f32
        %mul3A_145 = vector.broadcast %mul3A_144 : f32 to vector<16xf32>
        %mul3A_146 = arith.mulf %mul3A_145, %add3A_140 : vector<16xf32>
        %select_n3A_147 = arith.select %ge3A_143, %add3A_140, %mul3A_146 : vector<16xi1>, vector<16xf32>
        %exp3A_148 = math.exp %select_n3A_147 : vector<16xf32>
        %mul3A_149 = arith.mulf %exp3A_148, %get3A_73 : vector<16xf32>
        %mul3A_150 = arith.constant 16 : i32
        %mul3A_151 = arith.muli %scan3A_66, %mul3A_150 : i32
        %swap3A_152 = arith.constant 3 : i32
        %swap3A_153 = arith.index_cast %swap3A_152 : i32 to index
        %swap3A_154 = arith.index_cast %mul3A_151 : i32 to index
        %swap3A_155 = tpu.vector_load %arg15[%swap3A_153, %swap3A_154] {strides = array<i32>} : memref<4x64xf32, #tpu.memory_space<vmem>>, vector<16xf32>,
        tpu.vector_store %arg15[%swap3A_153, %swap3A_154], %mul3A_149 {strides = array<i32>} : memref<4x64xf32, #tpu.memory_space<vmem>>, vector<16xf32>,
        tpu.vector_store_idx %arg16[%add3A_70, %broadcast_in_dim3A_135], %mul3A_149 : memref<64x128xf32, #tpu.memory_space<vmem>>[vector<16xi32>, vector<16xi32>], vector<16xf32>,
      }
      %scan3A_58 = arith.constant 4 : i32
      %run_scoped3A = arith.constant 0 : i32
      %run_scoped3A_59 = arith.constant 0 : i32
      "tpu.region"() ({
        %run_scoped3A_66 = tpu.sem_alloc : memref<!tpu.dma_semaphore, #tpu.memory_space<semaphore_mem>>
        %dma_start3A_67 = arith.constant 0 : i32
        %dma_start3A_68 = tpu.memref_slice %arg15[%run_scoped3A, %dma_start3A_67] : memref<4x64xf32, #tpu.memory_space<vmem>> -> memref<1x64xf32, #tpu.memory_space<vmem>>
        %dma_start3A_69 = tpu.memref_squeeze %dma_start3A_68 : memref<1x64xf32, #tpu.memory_space<vmem>> -> memref<64xf32, #tpu.memory_space<vmem>>
        %dma_start3A_70 = tpu.memref_slice %arg7[%run_scoped3A_59, %add3A_42] : memref<4x331776xf32, #tpu.memory_space<hbm>> -> memref<1x64xf32, #tpu.memory_space<hbm>>
        %dma_start3A_71 = tpu.memref_squeeze %dma_start3A_70 : memref<1x64xf32, #tpu.memory_space<hbm>> -> memref<64xf32, #tpu.memory_space<hbm>>
        %dma_start3A_72 = tpu.memref_slice %arg7[%run_scoped3A_59, %add3A_42] : memref<4x331776xf32, #tpu.memory_space<hbm>> -> memref<1x64xf32, #tpu.memory_space<hbm>>
        %dma_start3A_73 = tpu.memref_squeeze %dma_start3A_72 : memref<1x64xf32, #tpu.memory_space<hbm>> -> memref<64xf32, #tpu.memory_space<hbm>>
        %dma_start3A_74 = arith.constant 0 : i32
        %dma_start3A_75 = tpu.memref_slice %arg15[%run_scoped3A, %dma_start3A_74] : memref<4x64xf32, #tpu.memory_space<vmem>> -> memref<1x64xf32, #tpu.memory_space<vmem>>
        %dma_start3A_76 = tpu.memref_squeeze %dma_start3A_75 : memref<1x64xf32, #tpu.memory_space<vmem>> -> memref<64xf32, #tpu.memory_space<vmem>>
        tpu.enqueue_dma source(%dma_start3A_76 : memref<64xf32, #tpu.memory_space<vmem>>) target(%dma_start3A_73 : memref<64xf32, #tpu.memory_space<hbm>>) target_semaphore(%run_scoped3A_66 : memref<!tpu.dma_semaphore, #tpu.memory_space<semaphore_mem>>)
        %dma_wait3A_77 = arith.constant 0 : i32
        %dma_wait3A_78 = tpu.memref_slice %arg15[%run_scoped3A, %dma_wait3A_77] : memref<4x64xf32, #tpu.memory_space<vmem>> -> memref<1x64xf32, #tpu.memory_space<vmem>>
        %dma_wait3A_79 = tpu.memref_squeeze %dma_wait3A_78 : memref<1x64xf32, #tpu.memory_space<vmem>> -> memref<64xf32, #tpu.memory_space<vmem>>
        %dma_wait3A_80 = tpu.memref_slice %arg7[%run_scoped3A_59, %add3A_42] : memref<4x331776xf32, #tpu.memory_space<hbm>> -> memref<1x64xf32, #tpu.memory_space<hbm>>
        %dma_wait3A_81 = tpu.memref_squeeze %dma_wait3A_80 : memref<1x64xf32, #tpu.memory_space<hbm>> -> memref<64xf32, #tpu.memory_space<hbm>>
        %dma_wait3A_82 = tpu.memref_slice %arg7[%run_scoped3A_59, %add3A_42] : memref<4x331776xf32, #tpu.memory_space<hbm>> -> memref<1x64xf32, #tpu.memory_space<hbm>>
        %dma_wait3A_83 = tpu.memref_squeeze %dma_wait3A_82 : memref<1x64xf32, #tpu.memory_space<hbm>> -> memref<64xf32, #tpu.memory_space<hbm>>
        %dma_wait3A_84 = arith.constant 0 : i32
        %dma_wait3A_85 = tpu.memref_slice %arg15[%run_scoped3A, %dma_wait3A_84] : memref<4x64xf32, #tpu.memory_space<vmem>> -> memref<1x64xf32, #tpu.memory_space<vmem>>
        %dma_wait3A_86 = tpu.memref_squeeze %dma_wait3A_85 : memref<1x64xf32, #tpu.memory_space<vmem>> -> memref<64xf32, #tpu.memory_space<vmem>>
        tpu.wait_dma2 semaphore(%run_scoped3A_66 : memref<!tpu.dma_semaphore, #tpu.memory_space<semaphore_mem>>) src(%dma_wait3A_86 : memref<64xf32, #tpu.memory_space<vmem>>) dst(%dma_wait3A_83 : memref<64xf32, #tpu.memory_space<hbm>>)
        tpu.yield
      }) : () -> ()
      %run_scoped3A_60 = arith.constant 1 : i32
      %run_scoped3A_61 = arith.constant 1 : i32
      "tpu.region"() ({
        %run_scoped3A_66 = tpu.sem_alloc : memref<!tpu.dma_semaphore, #tpu.memory_space<semaphore_mem>>
        %dma_start3A_67 = arith.constant 0 : i32
        %dma_start3A_68 = tpu.memref_slice %arg15[%run_scoped3A_60, %dma_start3A_67] : memref<4x64xf32, #tpu.memory_space<vmem>> -> memref<1x64xf32, #tpu.memory_space<vmem>>
        %dma_start3A_69 = tpu.memref_squeeze %dma_start3A_68 : memref<1x64xf32, #tpu.memory_space<vmem>> -> memref<64xf32, #tpu.memory_space<vmem>>
        %dma_start3A_70 = tpu.memref_slice %arg7[%run_scoped3A_61, %add3A_42] : memref<4x331776xf32, #tpu.memory_space<hbm>> -> memref<1x64xf32, #tpu.memory_space<hbm>>
        %dma_start3A_71 = tpu.memref_squeeze %dma_start3A_70 : memref<1x64xf32, #tpu.memory_space<hbm>> -> memref<64xf32, #tpu.memory_space<hbm>>
        %dma_start3A_72 = tpu.memref_slice %arg7[%run_scoped3A_61, %add3A_42] : memref<4x331776xf32, #tpu.memory_space<hbm>> -> memref<1x64xf32, #tpu.memory_space<hbm>>
        %dma_start3A_73 = tpu.memref_squeeze %dma_start3A_72 : memref<1x64xf32, #tpu.memory_space<hbm>> -> memref<64xf32, #tpu.memory_space<hbm>>
        %dma_start3A_74 = arith.constant 0 : i32
        %dma_start3A_75 = tpu.memref_slice %arg15[%run_scoped3A_60, %dma_start3A_74] : memref<4x64xf32, #tpu.memory_space<vmem>> -> memref<1x64xf32, #tpu.memory_space<vmem>>
        %dma_start3A_76 = tpu.memref_squeeze %dma_start3A_75 : memref<1x64xf32, #tpu.memory_space<vmem>> -> memref<64xf32, #tpu.memory_space<vmem>>
        tpu.enqueue_dma source(%dma_start3A_76 : memref<64xf32, #tpu.memory_space<vmem>>) target(%dma_start3A_73 : memref<64xf32, #tpu.memory_space<hbm>>) target_semaphore(%run_scoped3A_66 : memref<!tpu.dma_semaphore, #tpu.memory_space<semaphore_mem>>)
        %dma_wait3A_77 = arith.constant 0 : i32
        %dma_wait3A_78 = tpu.memref_slice %arg15[%run_scoped3A_60, %dma_wait3A_77] : memref<4x64xf32, #tpu.memory_space<vmem>> -> memref<1x64xf32, #tpu.memory_space<vmem>>
        %dma_wait3A_79 = tpu.memref_squeeze %dma_wait3A_78 : memref<1x64xf32, #tpu.memory_space<vmem>> -> memref<64xf32, #tpu.memory_space<vmem>>
        %dma_wait3A_80 = tpu.memref_slice %arg7[%run_scoped3A_61, %add3A_42] : memref<4x331776xf32, #tpu.memory_space<hbm>> -> memref<1x64xf32, #tpu.memory_space<hbm>>
        %dma_wait3A_81 = tpu.memref_squeeze %dma_wait3A_80 : memref<1x64xf32, #tpu.memory_space<hbm>> -> memref<64xf32, #tpu.memory_space<hbm>>
        %dma_wait3A_82 = tpu.memref_slice %arg7[%run_scoped3A_61, %add3A_42] : memref<4x331776xf32, #tpu.memory_space<hbm>> -> memref<1x64xf32, #tpu.memory_space<hbm>>
        %dma_wait3A_83 = tpu.memref_squeeze %dma_wait3A_82 : memref<1x64xf32, #tpu.memory_space<hbm>> -> memref<64xf32, #tpu.memory_space<hbm>>
        %dma_wait3A_84 = arith.constant 0 : i32
        %dma_wait3A_85 = tpu.memref_slice %arg15[%run_scoped3A_60, %dma_wait3A_84] : memref<4x64xf32, #tpu.memory_space<vmem>> -> memref<1x64xf32, #tpu.memory_space<vmem>>
        %dma_wait3A_86 = tpu.memref_squeeze %dma_wait3A_85 : memref<1x64xf32, #tpu.memory_space<vmem>> -> memref<64xf32, #tpu.memory_space<vmem>>
        tpu.wait_dma2 semaphore(%run_scoped3A_66 : memref<!tpu.dma_semaphore, #tpu.memory_space<semaphore_mem>>) src(%dma_wait3A_86 : memref<64xf32, #tpu.memory_space<vmem>>) dst(%dma_wait3A_83 : memref<64xf32, #tpu.memory_space<hbm>>)
        tpu.yield
      }) : () -> ()
      %run_scoped3A_62 = arith.constant 2 : i32
      %run_scoped3A_63 = arith.constant 2 : i32
      "tpu.region"() ({
        %run_scoped3A_66 = tpu.sem_alloc : memref<!tpu.dma_semaphore, #tpu.memory_space<semaphore_mem>>
        %dma_start3A_67 = arith.constant 0 : i32
        %dma_start3A_68 = tpu.memref_slice %arg15[%run_scoped3A_62, %dma_start3A_67] : memref<4x64xf32, #tpu.memory_space<vmem>> -> memref<1x64xf32, #tpu.memory_space<vmem>>
        %dma_start3A_69 = tpu.memref_squeeze %dma_start3A_68 : memref<1x64xf32, #tpu.memory_space<vmem>> -> memref<64xf32, #tpu.memory_space<vmem>>
        %dma_start3A_70 = tpu.memref_slice %arg7[%run_scoped3A_63, %add3A_42] : memref<4x331776xf32, #tpu.memory_space<hbm>> -> memref<1x64xf32, #tpu.memory_space<hbm>>
        %dma_start3A_71 = tpu.memref_squeeze %dma_start3A_70 : memref<1x64xf32, #tpu.memory_space<hbm>> -> memref<64xf32, #tpu.memory_space<hbm>>
        %dma_start3A_72 = tpu.memref_slice %arg7[%run_scoped3A_63, %add3A_42] : memref<4x331776xf32, #tpu.memory_space<hbm>> -> memref<1x64xf32, #tpu.memory_space<hbm>>
        %dma_start3A_73 = tpu.memref_squeeze %dma_start3A_72 : memref<1x64xf32, #tpu.memory_space<hbm>> -> memref<64xf32, #tpu.memory_space<hbm>>
        %dma_start3A_74 = arith.constant 0 : i32
        %dma_start3A_75 = tpu.memref_slice %arg15[%run_scoped3A_62, %dma_start3A_74] : memref<4x64xf32, #tpu.memory_space<vmem>> -> memref<1x64xf32, #tpu.memory_space<vmem>>
        %dma_start3A_76 = tpu.memref_squeeze %dma_start3A_75 : memref<1x64xf32, #tpu.memory_space<vmem>> -> memref<64xf32, #tpu.memory_space<vmem>>
        tpu.enqueue_dma source(%dma_start3A_76 : memref<64xf32, #tpu.memory_space<vmem>>) target(%dma_start3A_73 : memref<64xf32, #tpu.memory_space<hbm>>) target_semaphore(%run_scoped3A_66 : memref<!tpu.dma_semaphore, #tpu.memory_space<semaphore_mem>>)
        %dma_wait3A_77 = arith.constant 0 : i32
        %dma_wait3A_78 = tpu.memref_slice %arg15[%run_scoped3A_62, %dma_wait3A_77] : memref<4x64xf32, #tpu.memory_space<vmem>> -> memref<1x64xf32, #tpu.memory_space<vmem>>
        %dma_wait3A_79 = tpu.memref_squeeze %dma_wait3A_78 : memref<1x64xf32, #tpu.memory_space<vmem>> -> memref<64xf32, #tpu.memory_space<vmem>>
        %dma_wait3A_80 = tpu.memref_slice %arg7[%run_scoped3A_63, %add3A_42] : memref<4x331776xf32, #tpu.memory_space<hbm>> -> memref<1x64xf32, #tpu.memory_space<hbm>>
        %dma_wait3A_81 = tpu.memref_squeeze %dma_wait3A_80 : memref<1x64xf32, #tpu.memory_space<hbm>> -> memref<64xf32, #tpu.memory_space<hbm>>
        %dma_wait3A_82 = tpu.memref_slice %arg7[%run_scoped3A_63, %add3A_42] : memref<4x331776xf32, #tpu.memory_space<hbm>> -> memref<1x64xf32, #tpu.memory_space<hbm>>
        %dma_wait3A_83 = tpu.memref_squeeze %dma_wait3A_82 : memref<1x64xf32, #tpu.memory_space<hbm>> -> memref<64xf32, #tpu.memory_space<hbm>>
        %dma_wait3A_84 = arith.constant 0 : i32
        %dma_wait3A_85 = tpu.memref_slice %arg15[%run_scoped3A_62, %dma_wait3A_84] : memref<4x64xf32, #tpu.memory_space<vmem>> -> memref<1x64xf32, #tpu.memory_space<vmem>>
        %dma_wait3A_86 = tpu.memref_squeeze %dma_wait3A_85 : memref<1x64xf32, #tpu.memory_space<vmem>> -> memref<64xf32, #tpu.memory_space<vmem>>
        tpu.wait_dma2 semaphore(%run_scoped3A_66 : memref<!tpu.dma_semaphore, #tpu.memory_space<semaphore_mem>>) src(%dma_wait3A_86 : memref<64xf32, #tpu.memory_space<vmem>>) dst(%dma_wait3A_83 : memref<64xf32, #tpu.memory_space<hbm>>)
        tpu.yield
      }) : () -> ()
      %run_scoped3A_64 = arith.constant 3 : i32
      %run_scoped3A_65 = arith.constant 3 : i32
      "tpu.region"() ({
        %run_scoped3A_66 = tpu.sem_alloc : memref<!tpu.dma_semaphore, #tpu.memory_space<semaphore_mem>>
        %dma_start3A_67 = arith.constant 0 : i32
        %dma_start3A_68 = tpu.memref_slice %arg15[%run_scoped3A_64, %dma_start3A_67] : memref<4x64xf32, #tpu.memory_space<vmem>> -> memref<1x64xf32, #tpu.memory_space<vmem>>
        %dma_start3A_69 = tpu.memref_squeeze %dma_start3A_68 : memref<1x64xf32, #tpu.memory_space<vmem>> -> memref<64xf32, #tpu.memory_space<vmem>>
        %dma_start3A_70 = tpu.memref_slice %arg7[%run_scoped3A_65, %add3A_42] : memref<4x331776xf32, #tpu.memory_space<hbm>> -> memref<1x64xf32, #tpu.memory_space<hbm>>
        %dma_start3A_71 = tpu.memref_squeeze %dma_start3A_70 : memref<1x64xf32, #tpu.memory_space<hbm>> -> memref<64xf32, #tpu.memory_space<hbm>>
        %dma_start3A_72 = tpu.memref_slice %arg7[%run_scoped3A_65, %add3A_42] : memref<4x331776xf32, #tpu.memory_space<hbm>> -> memref<1x64xf32, #tpu.memory_space<hbm>>
        %dma_start3A_73 = tpu.memref_squeeze %dma_start3A_72 : memref<1x64xf32, #tpu.memory_space<hbm>> -> memref<64xf32, #tpu.memory_space<hbm>>
        %dma_start3A_74 = arith.constant 0 : i32
        %dma_start3A_75 = tpu.memref_slice %arg15[%run_scoped3A_64, %dma_start3A_74] : memref<4x64xf32, #tpu.memory_space<vmem>> -> memref<1x64xf32, #tpu.memory_space<vmem>>
        %dma_start3A_76 = tpu.memref_squeeze %dma_start3A_75 : memref<1x64xf32, #tpu.memory_space<vmem>> -> memref<64xf32, #tpu.memory_space<vmem>>
        tpu.enqueue_dma source(%dma_start3A_76 : memref<64xf32, #tpu.memory_space<vmem>>) target(%dma_start3A_73 : memref<64xf32, #tpu.memory_space<hbm>>) target_semaphore(%run_scoped3A_66 : memref<!tpu.dma_semaphore, #tpu.memory_space<semaphore_mem>>)
        %dma_wait3A_77 = arith.constant 0 : i32
        %dma_wait3A_78 = tpu.memref_slice %arg15[%run_scoped3A_64, %dma_wait3A_77] : memref<4x64xf32, #tpu.memory_space<vmem>> -> memref<1x64xf32, #tpu.memory_space<vmem>>
        %dma_wait3A_79 = tpu.memref_squeeze %dma_wait3A_78 : memref<1x64xf32, #tpu.memory_space<vmem>> -> memref<64xf32, #tpu.memory_space<vmem>>
        %dma_wait3A_80 = tpu.memref_slice %arg7[%run_scoped3A_65, %add3A_42] : memref<4x331776xf32, #tpu.memory_space<hbm>> -> memref<1x64xf32, #tpu.memory_space<hbm>>
        %dma_wait3A_81 = tpu.memref_squeeze %dma_wait3A_80 : memref<1x64xf32, #tpu.memory_space<hbm>> -> memref<64xf32, #tpu.memory_space<hbm>>
        %dma_wait3A_82 = tpu.memref_slice %arg7[%run_scoped3A_65, %add3A_42] : memref<4x331776xf32, #tpu.memory_space<hbm>> -> memref<1x64xf32, #tpu.memory_space<hbm>>
        %dma_wait3A_83 = tpu.memref_squeeze %dma_wait3A_82 : memref<1x64xf32, #tpu.memory_space<hbm>> -> memref<64xf32, #tpu.memory_space<hbm>>
        %dma_wait3A_84 = arith.constant 0 : i32
        %dma_wait3A_85 = tpu.memref_slice %arg15[%run_scoped3A_64, %dma_wait3A_84] : memref<4x64xf32, #tpu.memory_space<vmem>> -> memref<1x64xf32, #tpu.memory_space<vmem>>
        %dma_wait3A_86 = tpu.memref_squeeze %dma_wait3A_85 : memref<1x64xf32, #tpu.memory_space<vmem>> -> memref<64xf32, #tpu.memory_space<vmem>>
        tpu.wait_dma2 semaphore(%run_scoped3A_66 : memref<!tpu.dma_semaphore, #tpu.memory_space<semaphore_mem>>) src(%dma_wait3A_86 : memref<64xf32, #tpu.memory_space<vmem>>) dst(%dma_wait3A_83 : memref<64xf32, #tpu.memory_space<hbm>>)
        tpu.yield
      }) : () -> ()
      "tpu.region"() ({
        %run_scoped3A_66 = tpu.sem_alloc : memref<!tpu.dma_semaphore, #tpu.memory_space<semaphore_mem>>
        %dma_start3A_67 = arith.constant 0 : i32
        %dma_start3A_68 = arith.constant 0 : i32
        %dma_start3A_69 = tpu.memref_slice %arg18[%dma_start3A_67, %dma_start3A_68] : memref<10240x128xf32, #tpu.memory_space<vmem_shared>> -> memref<10240x128xf32, #tpu.memory_space<vmem_shared>>
        tpu.enqueue_indirect_dma source(%arg16 : memref<64x128xf32, #tpu.memory_space<vmem>>) target(%dma_start3A_69 : memref<10240x128xf32, #tpu.memory_space<vmem_shared>>) offsets(%arg11 : memref<64xi32, #tpu.memory_space<vmem>>) semaphore(%run_scoped3A_66 : memref<!tpu.dma_semaphore, #tpu.memory_space<semaphore_mem>>) {add = true}
        %dma_wait3A_70 = arith.constant 0 : i32
        %dma_wait3A_71 = arith.constant 0 : i32
        %dma_wait3A_72 = tpu.memref_slice %arg18[%dma_wait3A_70, %dma_wait3A_71] : memref<10240x128xf32, #tpu.memory_space<vmem_shared>> -> memref<10240x128xf32, #tpu.memory_space<vmem_shared>>
        tpu.wait_indirect_dma semaphore(%run_scoped3A_66 : memref<!tpu.dma_semaphore, #tpu.memory_space<semaphore_mem>>) src(%arg16 : memref<64x128xf32, #tpu.memory_space<vmem>>) dst(%dma_wait3A_72 : memref<10240x128xf32, #tpu.memory_space<vmem_shared>>)
        tpu.yield
      }) : () -> ()
    }
    %scan3A_29 = arith.constant 162 : i32
    %barrier3A_30 = arith.constant 0 : index
    tpu.barrier barrier_id(%barrier3A_30)
    %scan3A_31 = arith.constant 0 : i32
    %scan3A_32 = arith.constant 0 : i32
    %scan3A_33 = arith.constant 10 : i32
    %scan3A_34 = arith.addi %scan3A_32, %scan3A_33 : i32
    %scan3A_35 = arith.constant 1 : i32
    scf.for %scan3A_37 = %scan3A_32 to %scan3A_34 step %scan3A_35  : i32 {
      %mul3A_38 = arith.constant 640 : i32
      %mul3A_39 = arith.muli %arg1, %mul3A_38 : i32
      %mul3A_40 = arith.constant 64 : i32
      %mul3A_41 = arith.muli %scan3A_37, %mul3A_40 : i32
      %add3A_42 = arith.addi %mul3A_39, %mul3A_41 : i32
      "tpu.region"() ({
        %run_scoped3A = tpu.sem_alloc : memref<!tpu.dma_semaphore, #tpu.memory_space<semaphore_mem>>
        %dma_start3A = arith.constant 0 : i32
        %dma_start3A_43 = tpu.memref_slice %arg18[%add3A_42, %dma_start3A] : memref<10240x128xf32, #tpu.memory_space<vmem_shared>> -> memref<64x128xf32, #tpu.memory_space<vmem_shared>>
        %dma_start3A_44 = arith.constant 0 : i32
        %dma_start3A_45 = tpu.memref_slice %arg18[%add3A_42, %dma_start3A_44] : memref<10240x128xf32, #tpu.memory_space<vmem_shared>> -> memref<64x128xf32, #tpu.memory_space<vmem_shared>>
        tpu.enqueue_dma source(%dma_start3A_45 : memref<64x128xf32, #tpu.memory_space<vmem_shared>>) target(%arg17 : memref<64x128xf32, #tpu.memory_space<vmem>>) target_semaphore(%run_scoped3A : memref<!tpu.dma_semaphore, #tpu.memory_space<semaphore_mem>>)
        %dma_wait3A = arith.constant 0 : i32
        %dma_wait3A_46 = tpu.memref_slice %arg18[%add3A_42, %dma_wait3A] : memref<10240x128xf32, #tpu.memory_space<vmem_shared>> -> memref<64x128xf32, #tpu.memory_space<vmem_shared>>
        %dma_wait3A_47 = arith.constant 0 : i32
        %dma_wait3A_48 = tpu.memref_slice %arg18[%add3A_42, %dma_wait3A_47] : memref<10240x128xf32, #tpu.memory_space<vmem_shared>> -> memref<64x128xf32, #tpu.memory_space<vmem_shared>>
        tpu.wait_dma2 semaphore(%run_scoped3A : memref<!tpu.dma_semaphore, #tpu.memory_space<semaphore_mem>>) src(%dma_wait3A_48 : memref<64x128xf32, #tpu.memory_space<vmem_shared>>) dst(%arg17 : memref<64x128xf32, #tpu.memory_space<vmem>>)
        tpu.yield
      }) : () -> ()
      "tpu.region"() ({
        %run_scoped3A = tpu.sem_alloc : memref<!tpu.dma_semaphore, #tpu.memory_space<semaphore_mem>>
        %dma_start3A = arith.constant 0 : i32
        %dma_start3A_43 = tpu.memref_slice %arg8[%arg0, %add3A_42, %dma_start3A] : memref<2x10240x128xf32, #tpu.memory_space<hbm>> -> memref<1x64x128xf32, #tpu.memory_space<hbm>>
        %dma_start3A_44 = tpu.memref_squeeze %dma_start3A_43 : memref<1x64x128xf32, #tpu.memory_space<hbm>> -> memref<64x128xf32, #tpu.memory_space<hbm>>
        %dma_start3A_45 = arith.constant 0 : i32
        %dma_start3A_46 = tpu.memref_slice %arg8[%arg0, %add3A_42, %dma_start3A_45] : memref<2x10240x128xf32, #tpu.memory_space<hbm>> -> memref<1x64x128xf32, #tpu.memory_space<hbm>>
        %dma_start3A_47 = tpu.memref_squeeze %dma_start3A_46 : memref<1x64x128xf32, #tpu.memory_space<hbm>> -> memref<64x128xf32, #tpu.memory_space<hbm>>
        tpu.enqueue_dma source(%arg17 : memref<64x128xf32, #tpu.memory_space<vmem>>) target(%dma_start3A_47 : memref<64x128xf32, #tpu.memory_space<hbm>>) target_semaphore(%run_scoped3A : memref<!tpu.dma_semaphore, #tpu.memory_space<semaphore_mem>>)
        %dma_wait3A = arith.constant 0 : i32
        %dma_wait3A_48 = tpu.memref_slice %arg8[%arg0, %add3A_42, %dma_wait3A] : memref<2x10240x128xf32, #tpu.memory_space<hbm>> -> memref<1x64x128xf32, #tpu.memory_space<hbm>>
        %dma_wait3A_49 = tpu.memref_squeeze %dma_wait3A_48 : memref<1x64x128xf32, #tpu.memory_space<hbm>> -> memref<64x128xf32, #tpu.memory_space<hbm>>
        %dma_wait3A_50 = arith.constant 0 : i32
        %dma_wait3A_51 = tpu.memref_slice %arg8[%arg0, %add3A_42, %dma_wait3A_50] : memref<2x10240x128xf32, #tpu.memory_space<hbm>> -> memref<1x64x128xf32, #tpu.memory_space<hbm>>
        %dma_wait3A_52 = tpu.memref_squeeze %dma_wait3A_51 : memref<1x64x128xf32, #tpu.memory_space<hbm>> -> memref<64x128xf32, #tpu.memory_space<hbm>>
        tpu.wait_dma2 semaphore(%run_scoped3A : memref<!tpu.dma_semaphore, #tpu.memory_space<semaphore_mem>>) src(%arg17 : memref<64x128xf32, #tpu.memory_space<vmem>>) dst(%dma_wait3A_52 : memref<64x128xf32, #tpu.memory_space<hbm>>)
        tpu.yield
      }) : () -> ()
    }
    %scan3A_36 = arith.constant 10 : i32
    return
  }
}

module attributes {stable_mosaic.version = 14 : i64} {
  func.func @_proj_body(%arg0: i32, %arg1: i32, %arg2: memref<1024x128xf32, #tpu.memory_space<vmem>>, %arg3: memref<1x128x128xf32, #tpu.memory_space<vmem>>, %arg4: memref<1x128x128xf32, #tpu.memory_space<vmem>>, %arg5: memref<1x1024x128xf32, #tpu.memory_space<vmem>>, %arg6: memref<1x1024x128xf32, #tpu.memory_space<vmem>>) attributes {dimension_semantics = [#tpu.dimension_semantics<arbitrary>, #tpu.dimension_semantics<arbitrary>], iteration_bounds = array<i64: 5, 10>, scalar_prefetch = 0 : i64, scratch_operands = 0 : i64, tpu.core_type = #tpu.core_type<tc>, window_params = [{transform_indices = @transform_0, window_bounds = array<i64: 1024, 128>}, {transform_indices = @transform_1, window_bounds = array<i64: 1, 128, 128>}, {transform_indices = @transform_2, window_bounds = array<i64: 1, 128, 128>}, {transform_indices = @transform_3, window_bounds = array<i64: 1, 1024, 128>}, {transform_indices = @transform_4, window_bounds = array<i64: 1, 1024, 128>}]} {
    %get3A = arith.constant 0 : index
    %get3A_0 = arith.constant 0 : index
    %get3A_1 = vector.load %arg2[%get3A, %get3A_0] : memref<1024x128xf32, #tpu.memory_space<vmem>>, vector<1024x128xf32>
    %get3A_2 = arith.constant 0 : index
    %get3A_3 = arith.constant 0 : index
    %get3A_4 = arith.constant 0 : index
    %get3A_5 = vector.load %arg3[%get3A_2, %get3A_3, %get3A_4] : memref<1x128x128xf32, #tpu.memory_space<vmem>>, vector<1x128x128xf32>
    %get3A_6 = vector.shape_cast %get3A_5 : vector<1x128x128xf32> to vector<128x128xf32>
    %dot_general3A = arith.constant dense<0.000000e+00> : vector<1024x128xf32>
    %dot_general3A_7 = tpu.matmul %get3A_1, %get3A_6, %dot_general3A {dimension_numbers = #tpu.dot_dimension_numbers<[1], [1], [0], [0], [0, 0, 1, 0], [], []>, transpose_lhs_hint = false} : vector<1024x128xf32>, vector<128x128xf32>, vector<1024x128xf32> -> vector<1024x128xf32>
    %swap3A = arith.constant 0 : index
    %swap3A_8 = arith.constant 0 : index
    %swap3A_9 = arith.constant 0 : index
    %swap3A_10 = vector.load %arg5[%swap3A, %swap3A_8, %swap3A_9] : memref<1x1024x128xf32, #tpu.memory_space<vmem>>, vector<1x1024x128xf32>
    %swap3A_11 = vector.shape_cast %swap3A_10 : vector<1x1024x128xf32> to vector<1024x128xf32>
    %swap3A_12 = vector.shape_cast %dot_general3A_7 : vector<1024x128xf32> to vector<1x1024x128xf32>
    tpu.vector_store %arg5[%swap3A, %swap3A_8, %swap3A_9], %swap3A_12 {strides = array<i32>} : memref<1x1024x128xf32, #tpu.memory_space<vmem>>, vector<1x1024x128xf32>,
    %get3A_13 = arith.constant 0 : index
    %get3A_14 = arith.constant 0 : index
    %get3A_15 = arith.constant 0 : index
    %get3A_16 = vector.load %arg4[%get3A_13, %get3A_14, %get3A_15] : memref<1x128x128xf32, #tpu.memory_space<vmem>>, vector<1x128x128xf32>
    %get3A_17 = vector.shape_cast %get3A_16 : vector<1x128x128xf32> to vector<128x128xf32>
    %dot_general3A_18 = arith.constant dense<0.000000e+00> : vector<1024x128xf32>
    %dot_general3A_19 = tpu.matmul %dot_general3A_7, %get3A_17, %dot_general3A_18 {dimension_numbers = #tpu.dot_dimension_numbers<[1], [0], [0], [1], [0, 0, 1, 1], [], []>, transpose_lhs_hint = false} : vector<1024x128xf32>, vector<128x128xf32>, vector<1024x128xf32> -> vector<1024x128xf32>
    %swap3A_20 = arith.constant 0 : index
    %swap3A_21 = arith.constant 0 : index
    %swap3A_22 = arith.constant 0 : index
    %swap3A_23 = vector.load %arg6[%swap3A_20, %swap3A_21, %swap3A_22] : memref<1x1024x128xf32, #tpu.memory_space<vmem>>, vector<1x1024x128xf32>
    %swap3A_24 = vector.shape_cast %swap3A_23 : vector<1x1024x128xf32> to vector<1024x128xf32>
    %swap3A_25 = vector.shape_cast %dot_general3A_19 : vector<1024x128xf32> to vector<1x1024x128xf32>
    tpu.vector_store %arg6[%swap3A_20, %swap3A_21, %swap3A_22], %swap3A_25 {strides = array<i32>} : memref<1x1024x128xf32, #tpu.memory_space<vmem>>, vector<1x1024x128xf32>,
    return
  }
  func.func @transform_0(%arg0: i32, %arg1: i32) -> (i32, i32) {
    %c0_i32 = arith.constant 0 : i32
    %c0_i32_0 = arith.constant 0 : i32
    return %arg1, %c0_i32 : i32, i32
  }
  func.func @transform_1(%arg0: i32, %arg1: i32) -> (i32, i32, i32) {
    %c0_i32 = arith.constant 0 : i32
    %c0_i32_0 = arith.constant 0 : i32
    %c0_i32_1 = arith.constant 0 : i32
    return %arg0, %c0_i32, %c0_i32_0 : i32, i32, i32
  }
  func.func @transform_2(%arg0: i32, %arg1: i32) -> (i32, i32, i32) {
    %c0_i32 = arith.constant 0 : i32
    %c0_i32_0 = arith.constant 0 : i32
    %c0_i32_1 = arith.constant 0 : i32
    return %arg0, %c0_i32, %c0_i32_0 : i32, i32, i32
  }
  func.func @transform_3(%arg0: i32, %arg1: i32) -> (i32, i32, i32) {
    %c0_i32 = arith.constant 0 : i32
    %c0_i32_0 = arith.constant 0 : i32
    return %arg0, %arg1, %c0_i32 : i32, i32, i32
  }
  func.func @transform_4(%arg0: i32, %arg1: i32) -> (i32, i32, i32) {
    %c0_i32 = arith.constant 0 : i32
    %c0_i32_0 = arith.constant 0 : i32
    return %arg0, %arg1, %c0_i32 : i32, i32, i32
  }
}

module attributes {stable_mosaic.version = 14 : i64} {
  func.func @_eexpand_body(%arg0: i32, %arg1: memref<4x2048xf32, #tpu.memory_space<vmem>>, %arg2: memref<4x128xf32, #tpu.memory_space<vmem>>, %arg3: memref<2048x128xf32, #tpu.memory_space<vmem>>) attributes {dimension_semantics = [#tpu.dimension_semantics<arbitrary>], iteration_bounds = array<i64: 162>, scalar_prefetch = 0 : i64, scratch_operands = 0 : i64, tpu.core_type = #tpu.core_type<tc>, window_params = [{transform_indices = @transform_0, window_bounds = array<i64: 4, 2048>}, {pipeline_mode = #tpu.pipeline_mode<synchronous>, transform_indices = @transform_1, window_bounds = array<i64: 4, 128>}, {transform_indices = @transform_2, window_bounds = array<i64: 2048, 128>}]} {
    %get3A = arith.constant 0 : index
    %get3A_0 = arith.constant 0 : index
    %get3A_1 = vector.load %arg1[%get3A, %get3A_0] : memref<4x2048xf32, #tpu.memory_space<vmem>>, vector<4x2048xf32>
    %get3A_2 = arith.constant 0 : index
    %get3A_3 = arith.constant 0 : index
    %get3A_4 = vector.load %arg2[%get3A_2, %get3A_3] : memref<4x128xf32, #tpu.memory_space<vmem>>, vector<4x128xf32>
    %dot_general3A = arith.constant dense<0.000000e+00> : vector<2048x128xf32>
    %dot_general3A_5 = tpu.matmul %get3A_1, %get3A_4, %dot_general3A {dimension_numbers = #tpu.dot_dimension_numbers<[0], [0], [1], [1], [0, 1, 1, 1], [], []>, transpose_lhs_hint = false} : vector<4x2048xf32>, vector<4x128xf32>, vector<2048x128xf32> -> vector<2048x128xf32>
    %swap3A = arith.constant 0 : index
    %swap3A_6 = arith.constant 0 : index
    %swap3A_7 = vector.load %arg3[%swap3A, %swap3A_6] : memref<2048x128xf32, #tpu.memory_space<vmem>>, vector<2048x128xf32>
    tpu.vector_store %arg3[%swap3A, %swap3A_6], %dot_general3A_5 {strides = array<i32>} : memref<2048x128xf32, #tpu.memory_space<vmem>>, vector<2048x128xf32>,
    return
  }
  func.func @transform_0(%arg0: i32) -> (i32, i32) {
    %c0_i32 = arith.constant 0 : i32
    %c0_i32_0 = arith.constant 0 : i32
    return %c0_i32, %arg0 : i32, i32
  }
  func.func @transform_1(%arg0: i32) -> (i32, i32) {
    %c0_i32 = arith.constant 0 : i32
    %c0_i32_0 = arith.constant 0 : i32
    %c0_i32_1 = arith.constant 0 : i32
    return %c0_i32, %c0_i32_0 : i32, i32
  }
  func.func @transform_2(%arg0: i32) -> (i32, i32) {
    %c0_i32 = arith.constant 0 : i32
    %c0_i32_0 = arith.constant 0 : i32
    return %arg0, %c0_i32 : i32, i32
  }
}

module attributes {stable_mosaic.version = 14 : i64} {
  func.func @_ncmerge_body(%arg0: i32, %arg1: memref<2x2048x128xf32, #tpu.memory_space<vmem>>, %arg2: memref<2048x128xf32, #tpu.memory_space<vmem>>) attributes {dimension_semantics = [#tpu.dimension_semantics<arbitrary>], iteration_bounds = array<i64: 5>, scalar_prefetch = 0 : i64, scratch_operands = 0 : i64, tpu.core_type = #tpu.core_type<tc>, window_params = [{transform_indices = @transform_0, window_bounds = array<i64: 2, 2048, 128>}, {transform_indices = @transform_1, window_bounds = array<i64: 2048, 128>}]} {
    %get3A = arith.constant 0 : index
    %get3A_0 = arith.constant 0 : index
    %get3A_1 = arith.constant 0 : index
    %get3A_2 = vector.load %arg1[%get3A, %get3A_0, %get3A_1] : memref<2x2048x128xf32, #tpu.memory_space<vmem>>, vector<1x2048x128xf32>
    %get3A_3 = vector.shape_cast %get3A_2 : vector<1x2048x128xf32> to vector<2048x128xf32>
    %get3A_4 = arith.constant 1 : index
    %get3A_5 = arith.constant 0 : index
    %get3A_6 = arith.constant 0 : index
    %get3A_7 = vector.load %arg1[%get3A_4, %get3A_5, %get3A_6] : memref<2x2048x128xf32, #tpu.memory_space<vmem>>, vector<1x2048x128xf32>
    %get3A_8 = vector.shape_cast %get3A_7 : vector<1x2048x128xf32> to vector<2048x128xf32>
    %add3A = arith.addf %get3A_3, %get3A_8 : vector<2048x128xf32>
    %swap3A = arith.constant 0 : index
    %swap3A_9 = arith.constant 0 : index
    %swap3A_10 = vector.load %arg2[%swap3A, %swap3A_9] : memref<2048x128xf32, #tpu.memory_space<vmem>>, vector<2048x128xf32>
    tpu.vector_store %arg2[%swap3A, %swap3A_9], %add3A {strides = array<i32>} : memref<2048x128xf32, #tpu.memory_space<vmem>>, vector<2048x128xf32>,
    return
  }
  func.func @transform_0(%arg0: i32) -> (i32, i32, i32) {
    %c0_i32 = arith.constant 0 : i32
    %c0_i32_0 = arith.constant 0 : i32
    %c0_i32_1 = arith.constant 0 : i32
    return %c0_i32, %arg0, %c0_i32_0 : i32, i32, i32
  }
  func.func @transform_1(%arg0: i32) -> (i32, i32) {
    %c0_i32 = arith.constant 0 : i32
    %c0_i32_0 = arith.constant 0 : i32
    return %arg0, %c0_i32 : i32, i32
  }
}

module attributes {stable_mosaic.version = 14 : i64} {
  func.func @_final_body(%arg0: i32, %arg1: memref<2x1024x128xf32, #tpu.memory_space<vmem>>, %arg2: memref<1024x128xf32, #tpu.memory_space<vmem>>, %arg3: memref<4x128xf32, #tpu.memory_space<vmem>>, %arg4: memref<1024x128xf32, #tpu.memory_space<vmem>>) attributes {dimension_semantics = [#tpu.dimension_semantics<arbitrary>], iteration_bounds = array<i64: 10>, scalar_prefetch = 0 : i64, scratch_operands = 0 : i64, tpu.core_type = #tpu.core_type<tc>, window_params = [{transform_indices = @transform_0, window_bounds = array<i64: 2, 1024, 128>}, {transform_indices = @transform_1, window_bounds = array<i64: 1024, 128>}, {pipeline_mode = #tpu.pipeline_mode<synchronous>, transform_indices = @transform_2, window_bounds = array<i64: 4, 128>}, {transform_indices = @transform_3, window_bounds = array<i64: 1024, 128>}]} {
    %get3A = arith.constant 0 : index
    %get3A_0 = arith.constant 4 : index
    %get3A_1 = vector.load %arg2[%get3A, %get3A_0] : memref<1024x128xf32, #tpu.memory_space<vmem>>, vector<1024x1xf32>
    %get3A_2 = vector.shape_cast %get3A_1 : vector<1024x1xf32> to vector<1024xf32>
    %max3A = arith.constant 1.000000e+00 : f32
    %max3A_3 = vector.broadcast %max3A : f32 to vector<1024xf32>
    %max3A_4 = arith.maximumf %get3A_2, %max3A_3 : vector<1024xf32>
    %get3A_5 = arith.constant 0 : index
    %get3A_6 = arith.constant 0 : index
    %get3A_7 = vector.load %arg2[%get3A_5, %get3A_6] : memref<1024x128xf32, #tpu.memory_space<vmem>>, vector<1024x4xf32>
    %get3A_8 = arith.constant 0 : index
    %get3A_9 = arith.constant 0 : index
    %get3A_10 = vector.load %arg3[%get3A_8, %get3A_9] : memref<4x128xf32, #tpu.memory_space<vmem>>, vector<4x128xf32>
    %dot_general3A = arith.constant dense<0.000000e+00> : vector<1024x128xf32>
    %dot_general3A_11 = tpu.matmul %get3A_7, %get3A_10, %dot_general3A {dimension_numbers = #tpu.dot_dimension_numbers<[1], [0], [0], [1], [0, 0, 1, 1], [], []>, transpose_lhs_hint = false} : vector<1024x4xf32>, vector<4x128xf32>, vector<1024x128xf32> -> vector<1024x128xf32>
    %get3A_12 = arith.constant 0 : index
    %get3A_13 = arith.constant 0 : index
    %get3A_14 = arith.constant 0 : index
    %get3A_15 = vector.load %arg1[%get3A_12, %get3A_13, %get3A_14] : memref<2x1024x128xf32, #tpu.memory_space<vmem>>, vector<1x1024x128xf32>
    %get3A_16 = vector.shape_cast %get3A_15 : vector<1x1024x128xf32> to vector<1024x128xf32>
    %get3A_17 = arith.constant 1 : index
    %get3A_18 = arith.constant 0 : index
    %get3A_19 = arith.constant 0 : index
    %get3A_20 = vector.load %arg1[%get3A_17, %get3A_18, %get3A_19] : memref<2x1024x128xf32, #tpu.memory_space<vmem>>, vector<1x1024x128xf32>
    %get3A_21 = vector.shape_cast %get3A_20 : vector<1x1024x128xf32> to vector<1024x128xf32>
    %add3A = arith.addf %get3A_16, %get3A_21 : vector<1024x128xf32>
    %broadcast_in_dim3A = vector.shape_cast %max3A_4 : vector<1024xf32> to vector<1024x1xf32>
    %mul3A = arith.constant 1.000000e-10 : f32
    %mul3A_22 = vector.broadcast %mul3A : f32 to vector<1024x1xf32>
    %mul3A_23 = arith.mulf %mul3A_22, %broadcast_in_dim3A : vector<1024x1xf32>
    %add3A_24 = vector.broadcast %mul3A_23 : vector<1024x1xf32> to vector<1024x128xf32>
    %add3A_25 = arith.addf %dot_general3A_11, %add3A_24 : vector<1024x128xf32>
    %div3A = arith.divf %add3A, %add3A_25 : vector<1024x128xf32>
    %max3A_26 = arith.constant 0.000000e+00 : f32
    %max3A_27 = vector.broadcast %max3A_26 : f32 to vector<1024x128xf32>
    %max3A_28 = arith.maximumf %div3A, %max3A_27 : vector<1024x128xf32>
    %swap3A = arith.constant 0 : index
    %swap3A_29 = arith.constant 0 : index
    %swap3A_30 = vector.load %arg4[%swap3A, %swap3A_29] : memref<1024x128xf32, #tpu.memory_space<vmem>>, vector<1024x128xf32>
    tpu.vector_store %arg4[%swap3A, %swap3A_29], %max3A_28 {strides = array<i32>} : memref<1024x128xf32, #tpu.memory_space<vmem>>, vector<1024x128xf32>,
    return
  }
  func.func @transform_0(%arg0: i32) -> (i32, i32, i32) {
    %c0_i32 = arith.constant 0 : i32
    %c0_i32_0 = arith.constant 0 : i32
    %c0_i32_1 = arith.constant 0 : i32
    return %c0_i32, %arg0, %c0_i32_0 : i32, i32, i32
  }
  func.func @transform_1(%arg0: i32) -> (i32, i32) {
    %c0_i32 = arith.constant 0 : i32
    %c0_i32_0 = arith.constant 0 : i32
    return %arg0, %c0_i32 : i32, i32
  }
  func.func @transform_2(%arg0: i32) -> (i32, i32) {
    %c0_i32 = arith.constant 0 : i32
    %c0_i32_0 = arith.constant 0 : i32
    %c0_i32_1 = arith.constant 0 : i32
    return %c0_i32, %c0_i32_0 : i32, i32
  }
  func.func @transform_3(%arg0: i32) -> (i32, i32) {
    %c0_i32 = arith.constant 0 : i32
    %c0_i32_0 = arith.constant 0 : i32
    return %arg0, %c0_i32 : i32, i32
  }
}

</mosaic_0001>

<sc_bundles>
// kernel: kernel.11.cloned.1.call-start
scs
__scs_entry_jumppad:
0x0: {  	(pc) =	sbr.rel $0x88, $3  }
0x1: {  	(tag) =	ssettag $0x0;
	lr =	simm.s32 $0x1  }
0x2: {  	[smem:$0x3F9B] =	sst lr;
	_ =	strace $0xD0000000  }
0x3: {  	_ = 	snop  }
0x4: {  	_ = 	snop  }
0x5: {  	_ = 	snop  }
0x6: {  	_ = 	snop  }
0x7: {  	_ = 	snop  }
__scs_overlays_trampoline_lowered:
0x8: {  	[smem:$0x3FAA] =	sst s0  }
0x9: {  	[smem:$0x3FAB] =	sst s1  }
0xa: {  	[smem:$0x3FAC] =	sst s2  }
0xb: {  	[smem:$0x3FAD] =	sst s3  }
0xc: {  	[smem:$0x3FAE] =	sst s4  }
0xd: {  	[smem:$0x3FAF] =	sst s5  }
0xe: {  	[smem:$0x3FB0] =	sst s6  }
0xf: {  	[smem:$0x3FB1] =	sst s7  }
0x10: {  	[smem:$0x3FB2] =	sst s8  }
0x11: {  	[smem:$0x3FB3] =	sst s9;
	s0 =	simm.s32 @!p0 $0x0  }
0x12: {  	s1 =	sld [smem:$0x3F99];
	s0 =	simm.s32 @p0 $0x1  }
0x13: {  	[smem:$0x3FB4] =	sst s0;
	s0 =	simm.s32 @!p1 $0x0  }
0x14: {  	s2 =	sld [smem:$0x3F98];
	s0 =	simm.s32 @p1 $0x1  }
0x15: {  	[smem:$0x3FB5] =	sst s0;
	s0 =	simm.s32 @!p2 $0x0  }
0x16: {  	s3 =	sld [smem:$0x3FDB];
	s0 =	simm.s32 @p2 $0x1  }
0x17: {  	s4 =	simm.s32 $0x1BF5;
	[smem:$0x3FB7] =	sst s0  }
0x18: {  	s0 =	sld [smem:$0x3F9A];
	_ =	swait.ge [sflag:s4], $0x0  }
0x19: {  	s7 =	sld [smem:$0x3F9B]  }
0x1a: {  	s8 =	sadd.s32 $0xFFFFE003, lr  }
0x1b: {  	s9 =	sadd.s32 $0xFFFFFEF7, lr;
	s5 =	simm.s32 $0xFFFFFFFF;
	p2 =	slt.u32 s8, $0xFFFFF086  }
0x1c: {  	p1 =	slt.u32 s9, $0xF7A;
	s5 =	simm.s32 @!p2 $0x0  }
0x1d: {  	s5 =	simm.s32 @p1 $0x1;
	p0 =	seq.s32 s7, s2  }
0x1e: {  	s7 =	smul.u32 @!p0 $0xF7A, s2;
	p2 =	seq.s32 @!p0 s5, $0x0  }
0x1f: {  	s9 =	smul.u32 $0xF7A, s1;
	s8 =	simm.s32 @!p0 $0x1BF5;
	p2 =	por !p2, p0  }
0x20: {  	[sflag:s8] =	ssyncset.s32 @!p0 $0xFFFFF086;
	s6 =	sadd.s32 @!p0 s3, s7;
	s7 =	simm.s32 @!p0 $0x108  }
0x21: {  	s3 =	sadd.s32 s3, s9;
	s6 =	sadd.s32 @!p0 $0x88, s6;
	s7 =	simm.s32 @p2 $0x1082  }
0x22: {  	[simem:s7], [sflag:s8] =	dma.local @!p0 [hbm:s6], $0xF7A  }
0x23: {  	s9 =	sor.u32 $0xD0000000, s2;
	s6 =	simm.s32 $0x108;
	_ =	swait.ge @!p0 [sflag:s8], $0x0  }
0x24: {  	s3 =	sadd.s32 $0x88, s3;
	s6 =	simm.s32 @!p1 $0x1082;
	[sflag:s4] =	ssyncset.s32 $0xFFFFF086  }
0x25: {  	[simem:s6], [sflag:s4] =	dma.local [hbm:s3], $0xF7A  }
0x26: {  	[smem:$0x3F9B] =	sst s1;
	(tag) =	ssettag s2;
	_ =	strace s9  }
0x27: {  	s1 =	sld [smem:$0x3FAB]  }
0x28: {  	s2 =	sld [smem:$0x3FAC]  }
0x29: {  	s4 =	sld [smem:$0x3FAE]  }
0x2a: {  	p0 =	seq.s32 s5, $0x0;
	s5 =	sld [smem:$0x3FAF]  }
0x2b: {  	s6 =	sld [smem:$0x3FB0]  }
0x2c: {  	s7 =	sld [smem:$0x3FB1]  }
0x2d: {  	s3 =	simm.s32 $0x108;
	s8 =	sld [smem:$0x3FB2]  }
0x2e: {  	s3 =	simm.s32 @!p0 $0x1082;
	s9 =	sld [smem:$0x3FB3]  }
0x2f: {  	lr =	sadd.s32 s0, s3;
	s0 =	sld [smem:$0x3FAA]  }
0x30: {  	s3 =	sld [smem:$0x3FAD]  }
0x31: {  	[smem:$0x3FB6] =	sst s10  }
0x32: {  	s10 =	sld [smem:$0x3FB4];
	_ =	sdelay $0x3  }
0x33: {  	p0 =	seq.s32 s10, $0x1;
	s10 =	sld [smem:$0x3FB6];
	_ =	sdelay $0x3  }
0x34: {  	[smem:$0x3FB6] =	sst s10  }
0x35: {  	s10 =	sld [smem:$0x3FB5];
	_ =	sdelay $0x3  }
0x36: {  	p1 =	seq.s32 s10, $0x1;
	s10 =	sld [smem:$0x3FB6];
	_ =	sdelay $0x3  }
0x37: {  	[smem:$0x3FB6] =	sst s10  }
0x38: {  	s10 =	sld [smem:$0x3FB7]  }
0x39: {  	_ = 	snop;
	(pc) =	sbr.ind lr, $3  }
0x3a: {  	_ = 	snop  }
0x3b: {  	_ = 	snop  }
0x3c: {  	p2 =	seq.s32 s10, $0x1;
	s10 =	sld [smem:$0x3FB6]  }
0x3d: {  	_ =	shalt  }
0x3e: {  	_ =	shalt  }
0x3f: {  	_ =	shalt  }
0x40: {  	_ =	shalt  }
0x41: {  	_ =	shalt  }
0x42: {  	_ =	shalt  }
0x43: {  	_ =	shalt  }
0x44: {  	_ =	shalt  }
0x45: {  	_ =	shalt  }
0x46: {  	_ =	shalt  }
0x47: {  	_ =	shalt  }
0x48: {  	_ =	shalt  }
0x49: {  	_ =	shalt  }
0x4a: {  	_ =	shalt  }
0x4b: {  	_ =	shalt  }
0x4c: {  	_ =	shalt  }
0x4d: {  	_ =	shalt  }
0x4e: {  	_ =	shalt  }
0x4f: {  	_ =	shalt  }
0x50: {  	_ =	shalt  }
0x51: {  	_ =	shalt  }
0x52: {  	_ =	shalt  }
0x53: {  	_ =	shalt  }
0x54: {  	_ =	shalt  }
0x55: {  	_ =	shalt  }
0x56: {  	_ =	shalt  }
0x57: {  	_ =	shalt  }
0x58: {  	_ =	shalt  }
0x59: {  	_ =	shalt  }
0x5a: {  	_ =	shalt  }
0x5b: {  	_ =	shalt  }
0x5c: {  	_ =	shalt  }
0x5d: {  	_ =	shalt  }
0x5e: {  	_ =	shalt  }
0x5f: {  	_ =	shalt  }
0x60: {  	_ =	shalt  }
0x61: {  	_ =	shalt  }
0x62: {  	_ =	shalt  }
0x63: {  	_ =	shalt  }
0x64: {  	_ =	shalt  }
0x65: {  	_ =	shalt  }
0x66: {  	_ =	shalt  }
0x67: {  	_ =	shalt  }
0x68: {  	_ =	shalt  }
0x69: {  	_ =	shalt  }
0x6a: {  	_ =	shalt  }
0x6b: {  	_ =	shalt  }
0x6c: {  	_ =	shalt  }
0x6d: {  	_ =	shalt  }
0x6e: {  	_ =	shalt  }
0x6f: {  	_ =	shalt  }
0x70: {  	_ =	shalt  }
0x71: {  	_ =	shalt  }
0x72: {  	_ =	shalt  }
0x73: {  	_ =	shalt  }
0x74: {  	_ =	shalt  }
0x75: {  	_ =	shalt  }
0x76: {  	_ =	shalt  }
0x77: {  	_ =	shalt  }
0x78: {  	_ =	shalt  }
0x79: {  	_ =	shalt  }
0x7a: {  	_ =	shalt  }
0x7b: {  	_ =	shalt  }
0x7c: {  	_ =	shalt  }
0x7d: {  	_ =	shalt  }
0x7e: {  	_ =	shalt  }
0x7f: {  	_ =	shalt  }
0x80: {  	_ =	shalt  }
0x81: {  	_ =	shalt  }
0x82: {  	_ =	shalt  }
0x83: {  	_ =	shalt  }
0x84: {  	_ =	shalt  }
0x85: {  	_ =	shalt  }
0x86: {  	_ =	shalt  }
0x87: {  	_ =	shalt  }
.Lfunc_end0:
.L_simem_size_0:
called_computation.1_lowered:
.L_overlay_start_0:
0x88: {  	s2 =	sld [smem:$0x3FD9]  }
0x89: {  	s3 =	sld [smem:$0x3FFE];
	_ =	sdelay $0x1  }
0x8a: {  	s1 =	srdreg.scid  }
0x8b: {  	s0 =	sand.u32 $0x1, s1  }
0x8c: {  	s16 =	sshll.u32 s0, $0xA;
	s2 =	sadd.s32 s3, s2  }
0x8d: {  	s2 =	sadd.s32 s2, s16  }
0x8e: {  	[smem:$0x3FC2] =	sst s2  }
0x8f: {  	_ = 	snop  }
0x90: {  	(tm) =	ssettm $0x1  }
0x91: {  	s17 =	sld [smem:$0x3FFB];
	_ =	sdelay $0x3  }
0x92: {  	_ =	strace s17  }
0x93: {  	s2 =	sld [smem:$0x3FFC];
	_ =	sdelay $0x3  }
0x94: {  	_ =	strace s2  }
0x95: {  	s2 =	sld [smem:$0x3FFD];
	_ =	sdelay $0x3  }
0x96: {  	_ =	strace s2  }
0x97: {  	_ =	strace $0x8FFFFFFF  }
0x98: {  	s18 =	sld [smem:$0x3FDB];
	_ =	sdelay $0x1  }
0x99: {  	s19 =	simm.s32 $_scs_section_size  }
0x9a: {  	s4 =	simm.s32 $_size__tile_overlayer_lowered;
	s5 =	simm.s32 $_tile_overlayer_lowered  }
0x9b: {  	s22 =	simm.s32 $0x1BFF;
	s21 =	sshll.u32 s5, $0x1;
	s2 =	sadd.s32 s19, s18  }
0x9c: {  	s6 =	simm.s32 $0x0;
	s20 =	sshll.u32 s4, $0x1;
	s4 =	sadd.s32 s21, s2  }
0x9d: {  	[timem:s6], [sflag:s22] =	dma.local [hbm:s4], s20  }
0x9e: {  	_ =	swait.ge [sflag:s22], s20  }
0x9f: {  	s3 =	ssub.s32 $0x0, s20;
	[sflag:s22] =	ssyncset.done $0x0  }
0xa0: {  	[sflag:s22] =	ssyncadd.s32 s3;
	_ =	sdelay $0x1  }
0xa1: {  	s23 =	simm.s32 $0x1B8B  }
0xa2: {  	_ =	swait.ge [sflag:s23], $0x1  }
0xa3: {  	[sflag:s23] =	ssyncset.done $0x0  }
0xa4: {  	s25 =	simm.s32 $0x1B8E;
	s24 =	sld [smem:$0x3FFE];
	[sflag:s23] =	ssyncadd.s32 $0xFFFFFFFF  }
0xa5: {  	s26 =	simm.s32 $execute0_lowered;
	[smem:$0x3FD2] =	sst s25  }
0xa6: {  	s4 =	sshll.u32 s26, $0x1;
	_ =	strace $0x80000049;
	[dreg:$0x1] =	wrdreg $0xFFFFFFFF  }
0xa7: {  	s28 =	simm.s32 $_size_execute0_lowered;
	s2 =	sadd.s32 s2, s4;
	[dreg:$0x0] =	wrdreg $0x0  }
0xa8: {  	s4 =	sshll.u32 s28, $0x1;
	[dreg:$0x2] =	wrdreg s2  }
0xa9: {  	[dreg:$0x3] =	wrdreg s4  }
0xaa: {  	[dreg:$0x4] =	wrdreg $0xC0  }
0xab: {  	_ =	task [dreg:s6], $0x5FFFF  }
0xac: {  	[dreg:$0x1] =	wrdreg $0xFFFFFFFF  }
0xad: {  	[dreg:$0x0] =	wrdreg $0x60  }
0xae: {  	[dreg:$0x2] =	wrdreg s24  }
0xaf: {  	[dreg:$0x3] =	wrdreg $0xA1000  }
0xb0: {  	[dreg:$0x4] =	wrdreg $0x9  }
0xb1: {  	_ =	task.clear_ibuf [dreg:s6], $0x5FFFF;
	_ =	strace $0x90000049  }
0xb2: {  	s29 =	simm.s32 $0x9;
	_ =	strace $0x8000004B  }
0xb3: {  	_ =	swait.ge [sflag:s29], $0x1  }
0xb4: {  	[sflag:s29] =	ssyncadd.s32 $0xFFFFFFFF  }
0xb5: {  	_ =	strace $0x9000004B  }
0xb6: {  	_ =	sfence  }
0xb7: {  	s30 =	sld [smem:$0x0];
	_ =	sdelay $0x2  }
0xb8: {  	s31 =	sshll.u32 s1, $0xD;
	s1 =	sshrl.u32 s1, $0x2  }
0xb9: {  	s3 =	sand.u32 $0x4000, s31;
	s1 =	sadd.s32 s1, s30  }
0xba: {  	s0 =	sor.u32 s3, s0;
	s1 =	sshll.u32 s1, $0x11  }
0xbb: {  	s0 =	sor.u32 s1, s0  }
0xbc: {  	s0 =	sadd.s32 $0x8F2B, s0  }
0xbd: {  	[sflag:s0] =	ssyncadd.remote.s32 $0x1  }
0xbe: {  	_ =	sfence.sel $0xFFFF  }
0xbf: {  	[dreg:$0x0] =	wrdreg $0xFFFFFFFF;
	(pc) =	sbr.abs _section_cstart, $3  }
0xc0: {  	[dreg:$0x1] =	wrdreg $0xFFFFFFFF  }
0xc1: {  	_ =	task.clear_ibuf [dreg:s6], $0x2FFFF;
	_ =	strace $0x9FFFFFFF  }
0xc2: {  	(tm) =	ssettm $0x7FFFFFFF  }
0xc3: {  	_ =	shalt  }
tec
execute0_lowered:
.L_overlay_start_1:
0x0: {  	(tag) =	ssettag $0x1  }
0x1: {  	s0 =	rddreg [dreg:$0x0];
	s2 =	srdreg.scid  }
0x2: {  	s1 =	rddreg [dreg:$0x1];
	s15 =	stileid.u32;
	s3 =	sand.u32 $0x1, s2  }
0x3: {  	s2 =	simm.s32 $0x0;
	s6 =	smul.u32 $0x14000, s15;
	s7 =	sadd.s32 $0x20C00, s0  }
0x4: {  	s13 =	sshll.u32 s15, $0x1;
	s28 =	smul.u32 $0x50000, s15;
	s15 =	sadd.s32 $0x2600, s0  }
0x5: {  	s4 =	smul.u32 $0x140000, s3;
	s5 =	ssub.s32 $0x2, s3;
	[smem:$0x7FF] =	sst s2  }
0x6: {  	s3 =	sor.u32 s3, s13;
	s8 =	sshrl.u32 s5, $0x1;
	s10 =	sadd.s32 $0x4000, s6  }
0x7: {  	s12 =	sadd.s32 $0x6000, s6;
	s13 =	sadd.s32 $0xA000, s6;
	s5 =	ssub.s32 s5, s8  }
0x8: {  	s9 =	sadd.s32 s4, s6;
	s11 =	sadd.s32 s4, s10;
	s18 =	sadd.s32 s4, s12  }
0x9: {  	s10 =	sadd.s32 s10, s1;
	s14 =	sshrl.u32 s9, $0x3;
	s9 =	sor.u32 $0x2000, s6  }
0xa: {  	s17 =	sshrl.u32 s11, $0x3;
	s8 =	sadd.s32 s7, s14;
	s16 =	sadd.s32 s4, s9  }
0xb: {  	s11 =	sadd.s32 $0x8000, s6;
	[dreg:$0x3] =	wrdreg s8;
	s8 =	sshrl.u32 s16, $0x3  }
0xc: {  	s19 =	sshrl.u32 s18, $0x3;
	s20 =	sadd.s32 s4, s11;
	s8 =	sadd.s32 s7, s8  }
0xd: {  	s14 =	sadd.s32 s4, s13;
	[dreg:$0x4] =	wrdreg s8;
	s8 =	sadd.s32 s7, s17  }
0xe: {  	s9 =	sadd.s32 s9, s1;
	[dreg:$0x5] =	wrdreg s8;
	s8 =	sadd.s32 s7, s19  }
0xf: {  	s21 =	sshrl.u32 s14, $0x3;
	[dreg:$0x6] =	wrdreg s8;
	s8 =	sshrl.u32 s20, $0x3  }
0x10: {  	s14 =	sadd.s32 $0x229600, s0;
	s20 =	sadd.s32 $0xC000, s6;
	s8 =	sadd.s32 s7, s8  }
0x11: {  	s16 =	sadd.s32 $0x16A00, s0;
	s22 =	sadd.s32 s4, s20;
	[dreg:$0x7] =	wrdreg s8  }
0x12: {  	s8 =	sadd.s32 s7, s21;
	s23 =	sshrl.u32 s22, $0x3;
	s21 =	sadd.s32 $0xE000, s6  }
0x13: {  	s22 =	sadd.s32 $0x10000, s6;
	s6 =	sadd.s32 $0x12000, s6;
	[dreg:$0x8] =	wrdreg s8  }
0x14: {  	s8 =	sadd.s32 s7, s23;
	s24 =	sadd.s32 s4, s21;
	s25 =	sadd.s32 s4, s22  }
0x15: {  	s4 =	sadd.s32 s4, s6;
	[dreg:$0x9] =	wrdreg s8;
	s8 =	sshrl.u32 s24, $0x3  }
0x16: {  	s17 =	sadd.s32 $0xE8C00, s0;
	s4 =	sshrl.u32 s4, $0x3;
	s8 =	sadd.s32 s7, s8  }
0x17: {  	s26 =	sshrl.u32 s25, $0x3;
	s4 =	sadd.s32 s7, s4;
	[dreg:$0xa] =	wrdreg s8  }
0x18: {  	s19 =	smul.u32 $0x2880, s3;
	s8 =	sadd.s32 s7, s26;
	[dreg:$0xc] =	wrdreg s4  }
0x19: {  	s23 =	sadd.s32 s12, s1;
	[dreg:$0xb] =	wrdreg s8;
	s8 =	smax.u32 s5, $0x1  }
0x1a: {  	s29 =	sadd.s32 s22, s1;
	_ =	strace $0x8000004A;
	[dreg:$0xd] =	wrdreg s8  }
0x1b: {  	s30 =	sadd.s32 s6, s1;
	s12 =	simm.s32 $0x80;
	[dreg:$0xe] =	wrdreg s9  }
0x1c: {  	s22 =	simm.s32 $0x0;
	s24 =	sadd.s32 s11, s1;
	[dreg:$0xf] =	wrdreg s10  }
0x1d: {  	s25 =	sadd.s32 s13, s1;
	s11 =	simm.s32 $0x2;
	[dreg:$0x10] =	wrdreg s23  }
0x1e: {  	s13 =	simm.s32 $0x100;
	s7 =	sshrl.u32 s28, $0x2;
	[dreg:$0x11] =	wrdreg s24  }
0x1f: {  	s26 =	sadd.s32 s20, s1;
	s28 =	sadd.s32 s21, s1;
	[dreg:$0x12] =	wrdreg s25  }
0x20: {  	s20 =	simm.s32 $0x4100;
	s18 =	sadd.s32 s7, s1;
	[dreg:$0x13] =	wrdreg s26  }
0x21: {  	s21 =	simm.s32 $0x1;
	[dreg:$0x14] =	wrdreg s28;
	s31 =	sadd.s32 $0x2000, s18  }
0x22: {  	s10 =	sadd.s32 $0x4000, s18;
	s0 =	sadd.s32 $0x6000, s18;
	s3 =	sadd.s32 $0x8000, s18  }
0x23: {  	s4 =	sadd.s32 $0xA000, s18;
	s5 =	sadd.s32 $0xC000, s18;
	s6 =	sadd.s32 $0xE000, s18  }
0x24: {  	v0 =	vimm.f32 $0.0e+00;
	s7 =	sadd.s32 $0x10000, s18;
	s8 =	sadd.s32 $0x12000, s18;
	s9 =	simm.s32 $0x8100  }
.LBB2_1:
0x25: {  	s23 =	simm.s32 $0x0;
	s24 =	simm.s32 $0x200  }
.LBB2_2:
0x26: {  	p0 =	sne.s32 s24, $0x7E00;
	[tilespmem:s23+$0x8170] =	vst v0  }
0x27: {  	[tilespmem:s23+$0x8100] =	vst v0  }
0x28: {  	[tilespmem:s23+$0x8110] =	vst v0  }
.Ltmp0:
0x29: {  	[tilespmem:s23+$0x8120] =	vst v0;
	(pc) =	sbr.rel @p0 .LBB2_2-.Ltmp0, $4  }
0x2a: {  	[tilespmem:s23+$0x8130] =	vst v0  }
0x2b: {  	[tilespmem:s23+$0x8140] =	vst v0  }
0x2c: {  	[tilespmem:s23+$0x8150] =	vst v0  }
0x2d: {  	[tilespmem:s23+$0x8160] =	vst v0;
	s23 =	sshra.s32 s24, $0x2;
	s24 =	sadd.s32 $0x200, s24  }
0x2e: {  	[tilespmem:s23+$0x8170] =	vst v0  }
0x2f: {  	[tilespmem:s23+$0x8100] =	vst v0  }
0x30: {  	[tilespmem:s23+$0x8110] =	vst v0  }
0x31: {  	[tilespmem:s23+$0x8120] =	vst v0  }
0x32: {  	[tilespmem:s23+$0x8130] =	vst v0  }
0x33: {  	[tilespmem:s23+$0x8140] =	vst v0  }
0x34: {  	[tilespmem:s23+$0x8150] =	vst v0  }
0x35: {  	[tilespmem:s23+$0x8160] =	vst v0  }
0x36: {  	[spmem:s18] =	stream.linear.scatter [tilespmem:s9], [sflag:$0x2], $0x2000, $0x38;
	[tilespmem:$0x1E100] =	vst v63  }
0x37: {  	_ =	swait.ge [sflag:s11], $0x2000  }
0x38: {  	[sflag:s11] =	ssyncset.done $0x0  }
0x39: {  	[sflag:s11] =	ssyncadd.s32 $0xFFFFE000  }
0x3a: {  	[spmem:s31] =	stream.linear.scatter [tilespmem:s9], [sflag:$0x2], $0x2000, $0x38;
	[tilespmem:$0x1E100] =	vst v63  }
0x3b: {  	_ =	swait.ge [sflag:s11], $0x2000  }
0x3c: {  	[sflag:s11] =	ssyncset.done $0x0  }
0x3d: {  	[sflag:s11] =	ssyncadd.s32 $0xFFFFE000  }
0x3e: {  	[spmem:s10] =	stream.linear.scatter [tilespmem:s9], [sflag:$0x2], $0x2000, $0x38;
	[tilespmem:$0x1E100] =	vst v63  }
0x3f: {  	_ =	swait.ge [sflag:s11], $0x2000  }
0x40: {  	[sflag:s11] =	ssyncset.done $0x0  }
0x41: {  	[sflag:s11] =	ssyncadd.s32 $0xFFFFE000  }
0x42: {  	[spmem:s0] =	stream.linear.scatter [tilespmem:s9], [sflag:$0x2], $0x2000, $0x38;
	[tilespmem:$0x1E100] =	vst v63  }
0x43: {  	_ =	swait.ge [sflag:s11], $0x2000  }
0x44: {  	[sflag:s11] =	ssyncset.done $0x0  }
0x45: {  	[sflag:s11] =	ssyncadd.s32 $0xFFFFE000  }
0x46: {  	[spmem:s3] =	stream.linear.scatter [tilespmem:s9], [sflag:$0x2], $0x2000, $0x38;
	[tilespmem:$0x1E100] =	vst v63  }
0x47: {  	_ =	swait.ge [sflag:s11], $0x2000  }
0x48: {  	[sflag:s11] =	ssyncset.done $0x0  }
0x49: {  	[sflag:s11] =	ssyncadd.s32 $0xFFFFE000  }
0x4a: {  	[spmem:s4] =	stream.linear.scatter [tilespmem:s9], [sflag:$0x2], $0x2000, $0x38;
	[tilespmem:$0x1E100] =	vst v63  }
0x4b: {  	_ =	swait.ge [sflag:s11], $0x2000  }
0x4c: {  	[sflag:s11] =	ssyncset.done $0x0  }
0x4d: {  	[sflag:s11] =	ssyncadd.s32 $0xFFFFE000  }
0x4e: {  	[spmem:s5] =	stream.linear.scatter [tilespmem:s9], [sflag:$0x2], $0x2000, $0x38;
	[tilespmem:$0x1E100] =	vst v63  }
0x4f: {  	_ =	swait.ge [sflag:s11], $0x2000  }
0x50: {  	[sflag:s11] =	ssyncset.done $0x0  }
0x51: {  	[sflag:s11] =	ssyncadd.s32 $0xFFFFE000  }
0x52: {  	[spmem:s6] =	stream.linear.scatter [tilespmem:s9], [sflag:$0x2], $0x2000, $0x38;
	[tilespmem:$0x1E100] =	vst v63  }
0x53: {  	_ =	swait.ge [sflag:s11], $0x2000  }
0x54: {  	[sflag:s11] =	ssyncset.done $0x0  }
0x55: {  	[sflag:s11] =	ssyncadd.s32 $0xFFFFE000  }
0x56: {  	[spmem:s7] =	stream.linear.scatter [tilespmem:s9], [sflag:$0x2], $0x2000, $0x38;
	[tilespmem:$0x1E100] =	vst v63  }
0x57: {  	_ =	swait.ge [sflag:s11], $0x2000  }
0x58: {  	[sflag:s11] =	ssyncset.done $0x0  }
0x59: {  	[sflag:s11] =	ssyncadd.s32 $0xFFFFE000  }
0x5a: {  	[spmem:s8] =	stream.linear.scatter [tilespmem:s9], [sflag:$0x2], $0x2000, $0x38;
	[tilespmem:$0x1E100] =	vst v63  }
0x5b: {  	_ =	swait.ge [sflag:s11], $0x2000  }
0x5c: {  	[sflag:s11] =	ssyncset.done $0x0  }
0x5d: {  	[sflag:s11] =	ssyncadd.s32 $0xFFFFE000  }
0x5e: {  	s23 =	simm.s32 $0x0;
	s24 =	simm.s32 $0x0;
	[bflag:$0x0] =	sbarrier.arrive $0xFFFF  }
.LBB2_4:
0x5f: {  	s25 =	sshll.u32 s24, $0x7  }
0x60: {  	s25 =	sadd.s32 s19, s25  }
0x61: {  	s26 =	sshrl.u32 s25, $0x3  }
0x62: {  	s28 =	sadd.s32 s15, s26  }
0x63: {  	[tilespmem:s23], [sflag:$0x2] =	stream.linear.gather [hbm4b:s28+s23], $0x80, $0x38;
	[tilespmem:$0x1E100] =	vst v63  }
0x64: {  	_ =	swait.ge [sflag:s11], $0x80  }
0x65: {  	[sflag:s11] =	ssyncset.done $0x0  }
0x66: {  	s26 =	sadd.s32 s16, s26;
	[sflag:s11] =	ssyncadd.s32 $0xFFFFFF80  }
0x67: {  	[tilespmem:s12], [sflag:$0x2] =	stream.linear.gather [hbm4b:s26+s23], $0x80, $0x38;
	[tilespmem:$0x1E100] =	vst v63  }
0x68: {  	_ =	swait.ge [sflag:s11], $0x80  }
0x69: {  	s25 =	sshll.u32 s25, $0x4;
	[sflag:s11] =	ssyncset.done $0x0  }
0x6a: {  	s25 =	sadd.s32 s14, s25;
	[sflag:s11] =	ssyncadd.s32 $0xFFFFFF80  }
0x6b: {  	[tilespmem:s13], [sflag:$0x1] =	stream.linear.gather [hbm4b:s25+s23], $0x4000, $0x38;
	[tilespmem:$0x1E100] =	vst v63  }
0x6c: {  	_ = 	snop  }
0x6d: {  	[tilespmem:s20], [sflag:$0x1] =	stream.indirect.gather [hbm4b:s17+s12], $0x80, s12, s12, $0xb8;
	[tilespmem:$0x1E100] =	vst v63  }
0x6e: {  	_ =	swait.ge [sflag:s21], $0x4000  }
0x6f: {  	[sflag:s21] =	ssyncset.done $0x0  }
0x70: {  	[sflag:s21] =	ssyncadd.s32 $0xFFFFC000  }
0x71: {  	_ =	swait.ge [sflag:s21], $0x4000  }
0x72: {  	[sflag:s21] =	ssyncset.done $0x0  }
0x73: {  	s25 =	simm.s32 $0x0;
	[sflag:s21] =	ssyncadd.s32 $0xFFFFC000  }
0x74: {  	v8 =	vld [tilespmem:s25+$0x100]  }
0x75: {  	v12 =	vld [tilespmem:s25+$0x110]  }
0x76: {  	v6 =	vld [tilespmem:s25+$0x120]  }
0x77: {  	v5 =	vld [tilespmem:s25+$0x130]  }
0x78: {  	v4 =	vld [tilespmem:s25+$0x140]  }
0x79: {  	v3 =	vld [tilespmem:s25+$0x150]  }
0x7a: {  	v2 =	vld [tilespmem:s25+$0x160]  }
0x7b: {  	v1 =	vld [tilespmem:s25+$0x170]  }
0x7c: {  	v13 =	vld [tilespmem:s25+$0x4100]  }
0x7d: {  	v14 =	vld [tilespmem:s25+$0x4110]  }
0x7e: {  	v11 =	vld [tilespmem:s25+$0x4120]  }
0x7f: {  	v10 =	vld [tilespmem:s25+$0x4130]  }
0x80: {  	v9 =	vld [tilespmem:s25+$0x4140]  }
0x81: {  	v7 =	vld [tilespmem:s25+$0x4150];
	v13 =	vmul.f32 v8, v13  }
0x82: {  	s26 =	simm.s32 $0x200;
	v12 =	vmul.f32 v12, v14;
	v8 =	vld [tilespmem:s25+$0x4160]  }
.LBB2_5:
0x83: {  	s28 =	sshra.s32 s26, $0x2;
	p0 =	sne.s32 s26, $0xFE00;
	[tilespmem:s25+$0x4100] =	vst v13;
	v6 =	vmul.f32 v6, v11;
	v11 =	vld [tilespmem:s25+$0x4170]  }
0x84: {  	v13 =	vld [tilespmem:s28+$0x100];
	[tilespmem:s25+$0x4110] =	vst v12;
	v5 =	vmul.f32 v5, v10  }
0x85: {  	v12 =	vld [tilespmem:s28+$0x110];
	[tilespmem:s25+$0x4120] =	vst v6;
	v4 =	vmul.f32 v4, v9  }
0x86: {  	v6 =	vld [tilespmem:s28+$0x120];
	[tilespmem:s25+$0x4130] =	vst v5;
	v3 =	vmul.f32 v3, v7  }
0x87: {  	v5 =	vld [tilespmem:s28+$0x130];
	[tilespmem:s25+$0x4140] =	vst v4;
	v2 =	vmul.f32 v2, v8  }
0x88: {  	v4 =	vld [tilespmem:s28+$0x140];
	[tilespmem:s25+$0x4150] =	vst v3;
	v1 =	vmul.f32 v1, v11  }
0x89: {  	v3 =	vld [tilespmem:s28+$0x150];
	[tilespmem:s25+$0x4160] =	vst v2  }
0x8a: {  	v2 =	vld [tilespmem:s28+$0x160];
	[tilespmem:s25+$0x4170] =	vst v1;
	s25 =	smov.u32 s28  }
0x8b: {  	v1 =	vld [tilespmem:s25+$0x170]  }
0x8c: {  	v7 =	vld [tilespmem:s25+$0x4100]  }
0x8d: {  	v8 =	vld [tilespmem:s25+$0x4110]  }
.Ltmp1:
0x8e: {  	v11 =	vld [tilespmem:s25+$0x4120];
	(pc) =	sbr.rel @p0 .LBB2_5-.Ltmp1, $4  }
0x8f: {  	v10 =	vld [tilespmem:s25+$0x4130]  }
0x90: {  	v9 =	vld [tilespmem:s25+$0x4140]  }
0x91: {  	v13 =	vmul.f32 v13, v7;
	v7 =	vld [tilespmem:s25+$0x4150]  }
0x92: {  	s26 =	sadd.s32 $0x200, s26;
	v12 =	vmul.f32 v12, v8;
	v8 =	vld [tilespmem:s25+$0x4160]  }
0x93: {  	[tilespmem:s25+$0x4100] =	vst v13;
	v6 =	vmul.f32 v6, v11;
	v63 =	vld [tilespmem:s25+$0x4170]  }
0x94: {  	[tilespmem:s25+$0x4110] =	vst v12;
	v5 =	vmul.f32 v5, v10  }
0x95: {  	[tilespmem:s25+$0x4120] =	vst v6;
	v4 =	vmul.f32 v4, v9  }
0x96: {  	[tilespmem:s25+$0x4130] =	vst v5;
	v3 =	vmul.f32 v3, v7  }
0x97: {  	[tilespmem:s25+$0x4140] =	vst v4;
	v2 =	vmul.f32 v2, v8  }
0x98: {  	s24 =	sadd.s32 $0x1, s24;
	[tilespmem:s25+$0x4150] =	vst v3;
	v1 =	vmul.f32 v1, v63  }
0x99: {  	p0 =	sne.s32 s24, $0x51;
	[tilespmem:s25+$0x4160] =	vst v2  }
.Ltmp2:
0x9a: {  	[tilespmem:s25+$0x4170] =	vst v1;
	(pc) =	sbr.rel @p0 .LBB2_4-.Ltmp2, $4  }
0x9b: {  	[spmem:s1] =	stream.indirect.scatter.add.f32 [tilespmem:s20], [sflag:$0x2], $0x80, s2, s12, $0xb8;
	[tilespmem:$0x1E100] =	vst v63  }
0x9c: {  	_ =	swait.ge [sflag:s11], $0x4000  }
0x9d: {  	[sflag:s11] =	ssyncset.done $0x0  }
0x9e: {  	[sflag:s11] =	ssyncadd.s32 $0xFFFFC000  }
0x9f: {  	[bflag:$0x0] =	sbarrier.arrive $0xFFFF  }
0xa0: {  	[tilespmem:s9], [sflag:$0x2] =	stream.linear.gather [spmem:s18], $0x2000, $0x38;
	[tilespmem:$0x1E100] =	vst v63  }
0xa1: {  	_ =	swait.ge [sflag:s11], $0x2000  }
0xa2: {  	[sflag:s11] =	ssyncset.done $0x0  }
0xa3: {  	s23 =	rddreg [dreg:$0x3];
	[sflag:s11] =	ssyncadd.s32 $0xFFFFE000  }
0xa4: {  	[hbm4b:s23+s2] =	stream.linear.scatter [tilespmem:s9], [sflag:$0x2], $0x2000, $0x38;
	[tilespmem:$0x1E100] =	vst v63  }
0xa5: {  	_ =	swait.ge [sflag:s11], $0x2000  }
0xa6: {  	[sflag:s11] =	ssyncset.done $0x0  }
0xa7: {  	s28 =	rddreg [dreg:$0xe];
	[sflag:s11] =	ssyncadd.s32 $0xFFFFE000  }
0xa8: {  	[tilespmem:s9], [sflag:$0x2] =	stream.linear.gather [spmem:s28], $0x2000, $0x38;
	[tilespmem:$0x1E100] =	vst v63  }
0xa9: {  	_ =	swait.ge [sflag:s11], $0x2000  }
0xaa: {  	[sflag:s11] =	ssyncset.done $0x0  }
0xab: {  	s24 =	rddreg [dreg:$0x4];
	[sflag:s11] =	ssyncadd.s32 $0xFFFFE000  }
0xac: {  	[hbm4b:s24+s2] =	stream.linear.scatter [tilespmem:s9], [sflag:$0x2], $0x2000, $0x38;
	[tilespmem:$0x1E100] =	vst v63  }
0xad: {  	_ =	swait.ge [sflag:s11], $0x2000  }
0xae: {  	[sflag:s11] =	ssyncset.done $0x0  }
0xaf: {  	s25 =	rddreg [dreg:$0xf];
	[sflag:s11] =	ssyncadd.s32 $0xFFFFE000  }
0xb0: {  	[tilespmem:s9], [sflag:$0x2] =	stream.linear.gather [spmem:s25], $0x2000, $0x38;
	[tilespmem:$0x1E100] =	vst v63  }
0xb1: {  	_ =	swait.ge [sflag:s11], $0x2000  }
0xb2: {  	[sflag:s11] =	ssyncset.done $0x0  }
0xb3: {  	s26 =	rddreg [dreg:$0x5];
	[sflag:s11] =	ssyncadd.s32 $0xFFFFE000  }
0xb4: {  	[hbm4b:s26+s2] =	stream.linear.scatter [tilespmem:s9], [sflag:$0x2], $0x2000, $0x38;
	[tilespmem:$0x1E100] =	vst v63  }
0xb5: {  	_ =	swait.ge [sflag:s11], $0x2000  }
0xb6: {  	[sflag:s11] =	ssyncset.done $0x0  }
0xb7: {  	s28 =	rddreg [dreg:$0x10];
	[sflag:s11] =	ssyncadd.s32 $0xFFFFE000  }
0xb8: {  	[tilespmem:s9], [sflag:$0x2] =	stream.linear.gather [spmem:s28], $0x2000, $0x38;
	[tilespmem:$0x1E100] =	vst v63  }
0xb9: {  	_ =	swait.ge [sflag:s11], $0x2000  }
0xba: {  	[sflag:s11] =	ssyncset.done $0x0  }
0xbb: {  	s24 =	rddreg [dreg:$0x6];
	[sflag:s11] =	ssyncadd.s32 $0xFFFFE000  }
0xbc: {  	[hbm4b:s24+s2] =	stream.linear.scatter [tilespmem:s9], [sflag:$0x2], $0x2000, $0x38;
	[tilespmem:$0x1E100] =	vst v63  }
0xbd: {  	_ =	swait.ge [sflag:s11], $0x2000  }
0xbe: {  	[sflag:s11] =	ssyncset.done $0x0  }
0xbf: {  	s25 =	rddreg [dreg:$0x11];
	[sflag:s11] =	ssyncadd.s32 $0xFFFFE000  }
0xc0: {  	[tilespmem:s9], [sflag:$0x2] =	stream.linear.gather [spmem:s25], $0x2000, $0x38;
	[tilespmem:$0x1E100] =	vst v63  }
0xc1: {  	_ =	swait.ge [sflag:s11], $0x2000  }
0xc2: {  	[sflag:s11] =	ssyncset.done $0x0  }
0xc3: {  	s26 =	rddreg [dreg:$0x7];
	[sflag:s11] =	ssyncadd.s32 $0xFFFFE000  }
0xc4: {  	[hbm4b:s26+s2] =	stream.linear.scatter [tilespmem:s9], [sflag:$0x2], $0x2000, $0x38;
	[tilespmem:$0x1E100] =	vst v63  }
0xc5: {  	_ =	swait.ge [sflag:s11], $0x2000  }
0xc6: {  	[sflag:s11] =	ssyncset.done $0x0  }
0xc7: {  	s28 =	rddreg [dreg:$0x12];
	[sflag:s11] =	ssyncadd.s32 $0xFFFFE000  }
0xc8: {  	[tilespmem:s9], [sflag:$0x2] =	stream.linear.gather [spmem:s28], $0x2000, $0x38;
	[tilespmem:$0x1E100] =	vst v63  }
0xc9: {  	_ =	swait.ge [sflag:s11], $0x2000  }
0xca: {  	[sflag:s11] =	ssyncset.done $0x0  }
0xcb: {  	s24 =	rddreg [dreg:$0x8];
	[sflag:s11] =	ssyncadd.s32 $0xFFFFE000  }
0xcc: {  	[hbm4b:s24+s2] =	stream.linear.scatter [tilespmem:s9], [sflag:$0x2], $0x2000, $0x38;
	[tilespmem:$0x1E100] =	vst v63  }
0xcd: {  	_ =	swait.ge [sflag:s11], $0x2000  }
0xce: {  	[sflag:s11] =	ssyncset.done $0x0  }
0xcf: {  	s25 =	rddreg [dreg:$0x13];
	[sflag:s11] =	ssyncadd.s32 $0xFFFFE000  }
0xd0: {  	[tilespmem:s9], [sflag:$0x2] =	stream.linear.gather [spmem:s25], $0x2000, $0x38;
	[tilespmem:$0x1E100] =	vst v63  }
0xd1: {  	_ =	swait.ge [sflag:s11], $0x2000  }
0xd2: {  	[sflag:s11] =	ssyncset.done $0x0  }
0xd3: {  	s26 =	rddreg [dreg:$0x9];
	[sflag:s11] =	ssyncadd.s32 $0xFFFFE000  }
0xd4: {  	[hbm4b:s26+s2] =	stream.linear.scatter [tilespmem:s9], [sflag:$0x2], $0x2000, $0x38;
	[tilespmem:$0x1E100] =	vst v63  }
0xd5: {  	_ =	swait.ge [sflag:s11], $0x2000  }
0xd6: {  	[sflag:s11] =	ssyncset.done $0x0  }
0xd7: {  	s28 =	rddreg [dreg:$0x14];
	[sflag:s11] =	ssyncadd.s32 $0xFFFFE000  }
0xd8: {  	[tilespmem:s9], [sflag:$0x2] =	stream.linear.gather [spmem:s28], $0x2000, $0x38;
	[tilespmem:$0x1E100] =	vst v63  }
0xd9: {  	_ =	swait.ge [sflag:s11], $0x2000  }
0xda: {  	[sflag:s11] =	ssyncset.done $0x0  }
0xdb: {  	s24 =	rddreg [dreg:$0xa];
	[sflag:s11] =	ssyncadd.s32 $0xFFFFE000  }
0xdc: {  	[hbm4b:s24+s2] =	stream.linear.scatter [tilespmem:s9], [sflag:$0x2], $0x2000, $0x38;
	[tilespmem:$0x1E100] =	vst v63  }
0xdd: {  	_ =	swait.ge [sflag:s11], $0x2000  }
0xde: {  	[sflag:s11] =	ssyncset.done $0x0  }
0xdf: {  	[sflag:s11] =	ssyncadd.s32 $0xFFFFE000  }
0xe0: {  	[tilespmem:s9], [sflag:$0x2] =	stream.linear.gather [spmem:s29], $0x2000, $0x38;
	[tilespmem:$0x1E100] =	vst v63  }
0xe1: {  	_ =	swait.ge [sflag:s11], $0x2000  }
0xe2: {  	[sflag:s11] =	ssyncset.done $0x0  }
0xe3: {  	s25 =	rddreg [dreg:$0xb];
	[sflag:s11] =	ssyncadd.s32 $0xFFFFE000  }
0xe4: {  	[hbm4b:s25+s2] =	stream.linear.scatter [tilespmem:s9], [sflag:$0x2], $0x2000, $0x38;
	[tilespmem:$0x1E100] =	vst v63  }
0xe5: {  	_ =	swait.ge [sflag:s11], $0x2000  }
0xe6: {  	[sflag:s11] =	ssyncset.done $0x0  }
0xe7: {  	[sflag:s11] =	ssyncadd.s32 $0xFFFFE000  }
0xe8: {  	[tilespmem:s9], [sflag:$0x2] =	stream.linear.gather [spmem:s30], $0x2000, $0x38;
	[tilespmem:$0x1E100] =	vst v63  }
0xe9: {  	_ =	swait.ge [sflag:s11], $0x2000  }
0xea: {  	[sflag:s11] =	ssyncset.done $0x0  }
0xeb: {  	s26 =	rddreg [dreg:$0xc];
	[sflag:s11] =	ssyncadd.s32 $0xFFFFE000  }
0xec: {  	[hbm4b:s26+s2] =	stream.linear.scatter [tilespmem:s9], [sflag:$0x2], $0x2000, $0x38;
	[tilespmem:$0x1E100] =	vst v63  }
0xed: {  	_ =	swait.ge [sflag:s11], $0x2000  }
0xee: {  	s22 =	sadd.s32 $0x1, s22;
	s28 =	rddreg [dreg:$0xd]  }
0xef: {  	p0 =	sne.s32 s22, s28  }
.Ltmp3:
0xf0: {  	_ = 	snop;
	(pc) =	sbr.rel @p0 .LBB2_1-.Ltmp3, $3  }
0xf1: {  	_ =	sdelay $0x1  }
0xf2: {  	[sflag:s11] =	ssyncset.done $0x0  }
0xf3: {  	[sflag:s11] =	ssyncadd.s32 $0xFFFFE000  }
0xf4: {  	_ =	sfence.sel $0x180000  }
0xf5: {  	[bflag:$0x0] =	sbarrier.arrive $0xFFFF  }
0xf6: {  	_ =	strace $0x9000004A  }
0xf7: {  	s0 =	stileid.u32;
	[bflag:$0x2] =	sbarrier.arrive $0xFFFF  }
0xf8: {  	p0 =	sne.s32 s0, $0x0;
	s0 =	rddreg [dreg:$0x2]  }
0xf9: {  	s0 =	sadd.s32 @!p0 $0x100000, s0  }
0xfa: {  	[sflag:s0] =	ssyncadd.tile.s32 @!p0 $0x1;
	_ =	shalt  }
.Lfunc_end2:
_tile_overlayer_lowered:
.L_overlay_start_2:
0xfb: {  	(tag) =	ssettag $0x2  }
0xfc: {  	s0 =	rddreg [dreg:$0x0];
	s2 =	stileid.u32  }
0xfd: {  	s1 =	rddreg [dreg:$0x1];
	p0 =	sne.s32 s2, $0x0  }
0xfe: {  	s3 =	rddreg [dreg:$0x2];
	[bflag:$0x3] =	sbarrier.arrive $0xFFFF;
	s2 =	simm.s32 @!p0 $0x1C02  }
0xff: {  	[timem:s3], [sflag:s2] =	dma.local @!p0 [hbm:s0], s1  }
0x100: {  	s0 =	simm.s32 @!p0 $0x2  }
0x101: {  	_ =	swait.ge @!p0 [sflag:s0], s1  }
0x102: {  	s1 =	ssub.s32 @!p0 $0x0, s1;
	[sflag:s0] =	ssyncset.done @!p0 $0x0  }
0x103: {  	[sflag:s0] =	ssyncadd.s32 @!p0 s1  }
0x104: {  	[bflag:$0x3] =	sbarrier.arrive $0xFFFF  }
0x105: {  	_ =	shalt  }

// kernel: kernel.8.cloned.1.call-start
scs
__scs_entry_jumppad:
0x0: {  	(pc) =	sbr.rel $0x88, $3  }
0x1: {  	(tag) =	ssettag $0x0;
	lr =	simm.s32 $0x1  }
0x2: {  	[smem:$0x3F9B] =	sst lr;
	_ =	strace $0xD0000000  }
0x3: {  	_ = 	snop  }
0x4: {  	_ = 	snop  }
0x5: {  	_ = 	snop  }
0x6: {  	_ = 	snop  }
0x7: {  	_ = 	snop  }
__scs_overlays_trampoline_lowered:
0x8: {  	[smem:$0x3FAA] =	sst s0  }
0x9: {  	[smem:$0x3FAB] =	sst s1  }
0xa: {  	[smem:$0x3FAC] =	sst s2  }
0xb: {  	[smem:$0x3FAD] =	sst s3  }
0xc: {  	[smem:$0x3FAE] =	sst s4  }
0xd: {  	[smem:$0x3FAF] =	sst s5  }
0xe: {  	[smem:$0x3FB0] =	sst s6  }
0xf: {  	[smem:$0x3FB1] =	sst s7  }
0x10: {  	[smem:$0x3FB2] =	sst s8  }
0x11: {  	[smem:$0x3FB3] =	sst s9;
	s0 =	simm.s32 @!p0 $0x0  }
0x12: {  	s1 =	sld [smem:$0x3F99];
	s0 =	simm.s32 @p0 $0x1  }
0x13: {  	[smem:$0x3FB4] =	sst s0;
	s0 =	simm.s32 @!p1 $0x0  }
0x14: {  	s2 =	sld [smem:$0x3F98];
	s0 =	simm.s32 @p1 $0x1  }
0x15: {  	[smem:$0x3FB5] =	sst s0;
	s0 =	simm.s32 @!p2 $0x0  }
0x16: {  	s3 =	sld [smem:$0x3FDB];
	s0 =	simm.s32 @p2 $0x1  }
0x17: {  	s4 =	simm.s32 $0x1BF5;
	[smem:$0x3FB7] =	sst s0  }
0x18: {  	s0 =	sld [smem:$0x3F9A];
	_ =	swait.ge [sflag:s4], $0x0  }
0x19: {  	s7 =	sld [smem:$0x3F9B]  }
0x1a: {  	s8 =	sadd.s32 $0xFFFFE003, lr  }
0x1b: {  	s9 =	sadd.s32 $0xFFFFFEF7, lr;
	s5 =	simm.s32 $0xFFFFFFFF;
	p2 =	slt.u32 s8, $0xFFFFF086  }
0x1c: {  	p1 =	slt.u32 s9, $0xF7A;
	s5 =	simm.s32 @!p2 $0x0  }
0x1d: {  	s5 =	simm.s32 @p1 $0x1;
	p0 =	seq.s32 s7, s2  }
0x1e: {  	s7 =	smul.u32 @!p0 $0xF7A, s2;
	p2 =	seq.s32 @!p0 s5, $0x0  }
0x1f: {  	s9 =	smul.u32 $0xF7A, s1;
	s8 =	simm.s32 @!p0 $0x1BF5;
	p2 =	por !p2, p0  }
0x20: {  	[sflag:s8] =	ssyncset.s32 @!p0 $0xFFFFF086;
	s6 =	sadd.s32 @!p0 s3, s7;
	s7 =	simm.s32 @!p0 $0x108  }
0x21: {  	s3 =	sadd.s32 s3, s9;
	s6 =	sadd.s32 @!p0 $0x88, s6;
	s7 =	simm.s32 @p2 $0x1082  }
0x22: {  	[simem:s7], [sflag:s8] =	dma.local @!p0 [hbm:s6], $0xF7A  }
0x23: {  	s9 =	sor.u32 $0xD0000000, s2;
	s6 =	simm.s32 $0x108;
	_ =	swait.ge @!p0 [sflag:s8], $0x0  }
0x24: {  	s3 =	sadd.s32 $0x88, s3;
	s6 =	simm.s32 @!p1 $0x1082;
	[sflag:s4] =	ssyncset.s32 $0xFFFFF086  }
0x25: {  	[simem:s6], [sflag:s4] =	dma.local [hbm:s3], $0xF7A  }
0x26: {  	[smem:$0x3F9B] =	sst s1;
	(tag) =	ssettag s2;
	_ =	strace s9  }
0x27: {  	s1 =	sld [smem:$0x3FAB]  }
0x28: {  	s2 =	sld [smem:$0x3FAC]  }
0x29: {  	s4 =	sld [smem:$0x3FAE]  }
0x2a: {  	p0 =	seq.s32 s5, $0x0;
	s5 =	sld [smem:$0x3FAF]  }
0x2b: {  	s6 =	sld [smem:$0x3FB0]  }
0x2c: {  	s7 =	sld [smem:$0x3FB1]  }
0x2d: {  	s3 =	simm.s32 $0x108;
	s8 =	sld [smem:$0x3FB2]  }
0x2e: {  	s3 =	simm.s32 @!p0 $0x1082;
	s9 =	sld [smem:$0x3FB3]  }
0x2f: {  	lr =	sadd.s32 s0, s3;
	s0 =	sld [smem:$0x3FAA]  }
0x30: {  	s3 =	sld [smem:$0x3FAD]  }
0x31: {  	[smem:$0x3FB6] =	sst s10  }
0x32: {  	s10 =	sld [smem:$0x3FB4];
	_ =	sdelay $0x3  }
0x33: {  	p0 =	seq.s32 s10, $0x1;
	s10 =	sld [smem:$0x3FB6];
	_ =	sdelay $0x3  }
0x34: {  	[smem:$0x3FB6] =	sst s10  }
0x35: {  	s10 =	sld [smem:$0x3FB5];
	_ =	sdelay $0x3  }
0x36: {  	p1 =	seq.s32 s10, $0x1;
	s10 =	sld [smem:$0x3FB6];
	_ =	sdelay $0x3  }
0x37: {  	[smem:$0x3FB6] =	sst s10  }
0x38: {  	s10 =	sld [smem:$0x3FB7]  }
0x39: {  	_ = 	snop;
	(pc) =	sbr.ind lr, $3  }
0x3a: {  	_ = 	snop  }
0x3b: {  	_ = 	snop  }
0x3c: {  	p2 =	seq.s32 s10, $0x1;
	s10 =	sld [smem:$0x3FB6]  }
0x3d: {  	_ =	shalt  }
0x3e: {  	_ =	shalt  }
0x3f: {  	_ =	shalt  }
0x40: {  	_ =	shalt  }
0x41: {  	_ =	shalt  }
0x42: {  	_ =	shalt  }
0x43: {  	_ =	shalt  }
0x44: {  	_ =	shalt  }
0x45: {  	_ =	shalt  }
0x46: {  	_ =	shalt  }
0x47: {  	_ =	shalt  }
0x48: {  	_ =	shalt  }
0x49: {  	_ =	shalt  }
0x4a: {  	_ =	shalt  }
0x4b: {  	_ =	shalt  }
0x4c: {  	_ =	shalt  }
0x4d: {  	_ =	shalt  }
0x4e: {  	_ =	shalt  }
0x4f: {  	_ =	shalt  }
0x50: {  	_ =	shalt  }
0x51: {  	_ =	shalt  }
0x52: {  	_ =	shalt  }
0x53: {  	_ =	shalt  }
0x54: {  	_ =	shalt  }
0x55: {  	_ =	shalt  }
0x56: {  	_ =	shalt  }
0x57: {  	_ =	shalt  }
0x58: {  	_ =	shalt  }
0x59: {  	_ =	shalt  }
0x5a: {  	_ =	shalt  }
0x5b: {  	_ =	shalt  }
0x5c: {  	_ =	shalt  }
0x5d: {  	_ =	shalt  }
0x5e: {  	_ =	shalt  }
0x5f: {  	_ =	shalt  }
0x60: {  	_ =	shalt  }
0x61: {  	_ =	shalt  }
0x62: {  	_ =	shalt  }
0x63: {  	_ =	shalt  }
0x64: {  	_ =	shalt  }
0x65: {  	_ =	shalt  }
0x66: {  	_ =	shalt  }
0x67: {  	_ =	shalt  }
0x68: {  	_ =	shalt  }
0x69: {  	_ =	shalt  }
0x6a: {  	_ =	shalt  }
0x6b: {  	_ =	shalt  }
0x6c: {  	_ =	shalt  }
0x6d: {  	_ =	shalt  }
0x6e: {  	_ =	shalt  }
0x6f: {  	_ =	shalt  }
0x70: {  	_ =	shalt  }
0x71: {  	_ =	shalt  }
0x72: {  	_ =	shalt  }
0x73: {  	_ =	shalt  }
0x74: {  	_ =	shalt  }
0x75: {  	_ =	shalt  }
0x76: {  	_ =	shalt  }
0x77: {  	_ =	shalt  }
0x78: {  	_ =	shalt  }
0x79: {  	_ =	shalt  }
0x7a: {  	_ =	shalt  }
0x7b: {  	_ =	shalt  }
0x7c: {  	_ =	shalt  }
0x7d: {  	_ =	shalt  }
0x7e: {  	_ =	shalt  }
0x7f: {  	_ =	shalt  }
0x80: {  	_ =	shalt  }
0x81: {  	_ =	shalt  }
0x82: {  	_ =	shalt  }
0x83: {  	_ =	shalt  }
0x84: {  	_ =	shalt  }
0x85: {  	_ =	shalt  }
0x86: {  	_ =	shalt  }
0x87: {  	_ =	shalt  }
.Lfunc_end0:
.L_simem_size_0:
called_computation_lowered:
.L_overlay_start_0:
0x88: {  	s2 =	sld [smem:$0x3FD9]  }
0x89: {  	s3 =	sld [smem:$0x3FFE];
	_ =	sdelay $0x1  }
0x8a: {  	s1 =	srdreg.scid  }
0x8b: {  	s0 =	sand.u32 $0x1, s1  }
0x8c: {  	s17 =	sshll.u32 s0, $0xA;
	s2 =	sadd.s32 s3, s2  }
0x8d: {  	s2 =	sadd.s32 s2, s17  }
0x8e: {  	[smem:$0x3FC2] =	sst s2  }
0x8f: {  	_ = 	snop  }
0x90: {  	s2 =	sld [smem:$0x3FD0];
	(tm) =	ssettm $0x1  }
0x91: {  	s18 =	sld [smem:$0x3FFB];
	_ =	sdelay $0x3  }
0x92: {  	_ =	strace s18  }
0x93: {  	s3 =	sld [smem:$0x3FFC];
	_ =	sdelay $0x3  }
0x94: {  	_ =	strace s3  }
0x95: {  	s3 =	sld [smem:$0x3FFD];
	_ =	sdelay $0x3  }
0x96: {  	_ =	strace s3  }
0x97: {  	_ =	strace $0x8FFFFFFF  }
0x98: {  	s19 =	sld [smem:$0x3FDB];
	_ =	sdelay $0x1  }
0x99: {  	s4 =	simm.s32 $_scs_section_size  }
0x9a: {  	s5 =	simm.s32 $_size__tile_overlayer_lowered;
	s6 =	simm.s32 $_tile_overlayer_lowered  }
0x9b: {  	s22 =	simm.s32 $0x1BFF;
	s21 =	sshll.u32 s6, $0x1;
	s3 =	sadd.s32 s4, s19  }
0x9c: {  	s7 =	simm.s32 $0x0;
	s20 =	sshll.u32 s5, $0x1;
	s5 =	sadd.s32 s21, s3  }
0x9d: {  	[timem:s7], [sflag:s22] =	dma.local [hbm:s5], s20  }
0x9e: {  	_ =	swait.ge [sflag:s22], s20  }
0x9f: {  	s4 =	ssub.s32 $0x0, s20;
	[sflag:s22] =	ssyncset.done $0x0  }
0xa0: {  	[sflag:s22] =	ssyncadd.s32 s4;
	_ =	sdelay $0x1  }
0xa1: {  	s23 =	simm.s32 $0x1B8B  }
0xa2: {  	_ =	swait.ge [sflag:s23], $0x1  }
0xa3: {  	[sflag:s23] =	ssyncset.done $0x0  }
0xa4: {  	s25 =	simm.s32 $0x1B8E;
	s24 =	sld [smem:$0x3FFE];
	[sflag:s23] =	ssyncadd.s32 $0xFFFFFFFF  }
0xa5: {  	s26 =	simm.s32 $execute0_lowered;
	[smem:$0x3FD2] =	sst s25  }
0xa6: {  	s5 =	sshll.u32 s26, $0x1;
	_ =	strace $0x80000046;
	[dreg:$0x1] =	wrdreg $0xFFFFFFFF  }
0xa7: {  	s28 =	simm.s32 $_size_execute0_lowered;
	s3 =	sadd.s32 s3, s5;
	[dreg:$0x0] =	wrdreg $0x0  }
0xa8: {  	s5 =	sshll.u32 s28, $0x1;
	[dreg:$0x2] =	wrdreg s3  }
0xa9: {  	[dreg:$0x3] =	wrdreg s5  }
0xaa: {  	[dreg:$0x4] =	wrdreg $0xC0  }
0xab: {  	_ =	task [dreg:s7], $0x5FFFF  }
0xac: {  	[dreg:$0x1] =	wrdreg $0xFFFFFFFF  }
0xad: {  	[dreg:$0x0] =	wrdreg $0x60  }
0xae: {  	[dreg:$0x2] =	wrdreg s24  }
0xaf: {  	[dreg:$0x3] =	wrdreg s2  }
0xb0: {  	[dreg:$0x4] =	wrdreg $0x84000  }
0xb1: {  	[dreg:$0x5] =	wrdreg $0x9  }
0xb2: {  	_ =	task.clear_ibuf [dreg:s7], $0x6FFFF;
	_ =	strace $0x90000046  }
0xb3: {  	s29 =	simm.s32 $0x9;
	_ =	strace $0x80000048  }
0xb4: {  	_ =	swait.ge [sflag:s29], $0x1  }
0xb5: {  	[sflag:s29] =	ssyncadd.s32 $0xFFFFFFFF  }
0xb6: {  	_ =	strace $0x90000048  }
0xb7: {  	_ =	sfence  }
0xb8: {  	s30 =	sld [smem:$0x0];
	_ =	sdelay $0x2  }
0xb9: {  	s31 =	sshll.u32 s1, $0xD;
	s1 =	sshrl.u32 s1, $0x2  }
0xba: {  	s3 =	sand.u32 $0x4000, s31;
	s1 =	sadd.s32 s1, s30  }
0xbb: {  	s0 =	sor.u32 s3, s0;
	s1 =	sshll.u32 s1, $0x11  }
0xbc: {  	s0 =	sor.u32 s1, s0  }
0xbd: {  	s0 =	sadd.s32 $0x8F2B, s0  }
0xbe: {  	[sflag:s0] =	ssyncadd.remote.s32 $0x1  }
0xbf: {  	_ =	sfence.sel $0xFFFF  }
0xc0: {  	[dreg:$0x0] =	wrdreg $0xFFFFFFFF;
	(pc) =	sbr.abs _section_cstart, $3  }
0xc1: {  	[dreg:$0x1] =	wrdreg $0xFFFFFFFF  }
0xc2: {  	_ =	task.clear_ibuf [dreg:s7], $0x2FFFF;
	_ =	strace $0x9FFFFFFF  }
0xc3: {  	(tm) =	ssettm $0x7FFFFFFF  }
tec
execute0_lowered:
.L_overlay_start_1:
0x0: {  	(tag) =	ssettag $0x1  }
0x1: {  	s0 =	rddreg [dreg:$0x0]  }
0x2: {  	s1 =	srdreg.scid;
	s15 =	stileid.u32;
	s2 =	simm.s32 $0x0  }
0x3: {  	s1 =	sand.u32 $0x1, s1;
	s6 =	smul.u32 $0x14000, s15;
	[smem:$0x7FF] =	sst s2  }
0x4: {  	s7 =	sadd.s32 $0x1D9400, s0;
	s12 =	sshll.u32 s15, $0x1;
	s3 =	ssub.s32 $0x2, s1  }
0x5: {  	s4 =	smul.u32 $0x140000, s1;
	s1 =	sor.u32 s1, s12;
	s5 =	sshrl.u32 s3, $0x1  }
0x6: {  	s9 =	sor.u32 $0x2000, s6;
	s10 =	sadd.s32 $0x6000, s6;
	s3 =	ssub.s32 s3, s5  }
0x7: {  	s8 =	sadd.s32 s4, s6;
	s14 =	sadd.s32 s4, s9;
	s11 =	sadd.s32 s4, s10  }
0x8: {  	s13 =	sshrl.u32 s8, $0x3;
	s16 =	sshrl.u32 s14, $0x3;
	s8 =	sadd.s32 $0x4000, s6  }
0x9: {  	s18 =	sshrl.u32 s11, $0x3;
	s11 =	sadd.s32 $0xA000, s6;
	s14 =	sadd.s32 $0xC000, s6  }
0xa: {  	s5 =	sadd.s32 s7, s13;
	s17 =	sadd.s32 s4, s8;
	s13 =	sadd.s32 $0x8000, s6  }
0xb: {  	s21 =	sadd.s32 s4, s11;
	[dreg:$0x4] =	wrdreg s5;
	s5 =	sadd.s32 s7, s16  }
0xc: {  	s12 =	sadd.s32 s4, s14;
	[dreg:$0x5] =	wrdreg s5;
	s5 =	sshrl.u32 s17, $0x3  }
0xd: {  	s19 =	sadd.s32 s4, s13;
	s22 =	sshrl.u32 s12, $0x3;
	s5 =	sadd.s32 s7, s5  }
0xe: {  	s20 =	sshrl.u32 s19, $0x3;
	[dreg:$0x6] =	wrdreg s5;
	s5 =	sadd.s32 s7, s18  }
0xf: {  	[dreg:$0x7] =	wrdreg s5;
	s5 =	sadd.s32 s7, s20;
	s20 =	sadd.s32 $0xE000, s6  }
0x10: {  	[dreg:$0x8] =	wrdreg s5;
	s5 =	sshrl.u32 s21, $0x3;
	s23 =	sadd.s32 s4, s20  }
0x11: {  	s12 =	rddreg [dreg:$0x2];
	s5 =	sadd.s32 s7, s5;
	s24 =	sshrl.u32 s23, $0x3  }
0x12: {  	s23 =	sadd.s32 $0x10000, s6;
	s6 =	sadd.s32 $0x12000, s6;
	[dreg:$0x9] =	wrdreg s5  }
0x13: {  	s5 =	sadd.s32 s7, s22;
	s25 =	sadd.s32 s4, s23;
	s4 =	sadd.s32 s4, s6  }
0x14: {  	[dreg:$0xa] =	wrdreg s5;
	s5 =	sadd.s32 s7, s24;
	s4 =	sshrl.u32 s4, $0x3  }
0x15: {  	[dreg:$0xb] =	wrdreg s5;
	s5 =	sshrl.u32 s25, $0x3;
	s4 =	sadd.s32 s7, s4  }
0x16: {  	s5 =	sadd.s32 s7, s5;
	[dreg:$0xd] =	wrdreg s4  }
0x17: {  	s15 =	smul.u32 $0x50000, s15;
	[dreg:$0xc] =	wrdreg s5;
	s5 =	smax.u32 s3, $0x1  }
0x18: {  	s24 =	sadd.s32 s9, s12;
	_ =	strace $0x80000047;
	[dreg:$0xf] =	wrdreg s5  }
0x19: {  	s26 =	sshrl.u32 s15, $0x2;
	s25 =	sadd.s32 s8, s12;
	[dreg:$0x10] =	wrdreg s24  }
0x1a: {  	s7 =	sadd.s32 s26, s12;
	s26 =	sadd.s32 s10, s12;
	[dreg:$0x11] =	wrdreg s25  }
0x1b: {  	s15 =	smul.u32 $0x2880, s1;
	s1 =	sadd.s32 s13, s12;
	[dreg:$0x12] =	wrdreg s26  }
0x1c: {  	s3 =	sadd.s32 s11, s12;
	[dreg:$0x13] =	wrdreg s1  }
0x1d: {  	s28 =	simm.s32 $0x40;
	s4 =	sadd.s32 s14, s12;
	[dreg:$0x14] =	wrdreg s3  }
0x1e: {  	s29 =	simm.s32 $0x200;
	s8 =	sadd.s32 s23, s12;
	[dreg:$0x15] =	wrdreg s4  }
0x1f: {  	s30 =	simm.s32 $0x2200;
	s9 =	sadd.s32 s6, s12;
	[dreg:$0x17] =	wrdreg s8  }
0x20: {  	s31 =	simm.s32 $0x1;
	s10 =	sadd.s32 $0x2000, s7;
	[dreg:$0x18] =	wrdreg s9  }
0x21: {  	s16 =	sadd.s32 $0x20C00, s0;
	s11 =	sadd.s32 $0x4000, s7;
	[dreg:$0x19] =	wrdreg s10  }
0x22: {  	s17 =	sadd.s32 $0x16A00, s0;
	s13 =	sadd.s32 $0x6000, s7;
	[dreg:$0x1a] =	wrdreg s11  }
0x23: {  	s19 =	sadd.s32 $0xC800, s0;
	s14 =	sadd.s32 $0x8000, s7;
	[dreg:$0x1b] =	wrdreg s13  }
0x24: {  	s18 =	sadd.s32 $0x2600, s0;
	s23 =	sadd.s32 $0xC000, s7;
	[dreg:$0x1c] =	wrdreg s14  }
0x25: {  	s21 =	sadd.s32 $0x1B0C00, s0;
	s22 =	sadd.s32 $0x1B0C10, s0;
	[dreg:$0x1e] =	wrdreg s23  }
0x26: {  	s0 =	simm.s32 $0x4280;
	s5 =	sadd.s32 s20, s12;
	[dreg:$0xe] =	wrdreg s7  }
0x27: {  	s6 =	simm.s32 $0x6400;
	s20 =	sadd.s32 $0xA000, s7;
	[dreg:$0x16] =	wrdreg s5  }
0x28: {  	v0 =	vlaneseq.u32;
	s24 =	sadd.s32 $0xE000, s7;
	s25 =	sadd.s32 $0x10000, s7;
	[dreg:$0x1d] =	wrdreg s20  }
0x29: {  	v0 =	vmul.u32 $0x80, v0;
	s26 =	sadd.s32 $0x12000, s7;
	s23 =	simm.s32 $0x2;
	[dreg:$0x1f] =	wrdreg s24  }
0x2a: {  	s11 =	simm.s32 $0x4200;
	s3 =	simm.s32 $0x4300;
	[smem:$0x7FC] =	sst s25  }
0x2b: {  	v1 =	vimm.f32 $0.0e+00;
	v3 =	vimm.f32 $1.000000000e+00;
	v2 =	vor.u32 $0x4, v0;
	s4 =	simm.s32 $0x4380;
	[smem:$0x7FD] =	sst s26;
	s24 =	simm.s32 $0x4400  }
0x2c: {  	v4 =	vor.u32 $0x804, v0;
	v5 =	vor.u32 $0x1004, v0;
	v6 =	vor.u32 $0x1804, v0;
	s25 =	simm.s32 $0x80;
	s26 =	simm.s32 $0x100;
	s5 =	simm.s32 $0x0  }
.LBB2_1:
0x2d: {  	[smem:$0x7FB] =	sst s5;
	s1 =	simm.s32 $0x0;
	s5 =	simm.s32 $0x200  }
.LBB2_2:
0x2e: {  	p0 =	sne.s32 s5, $0x7E00;
	[tilespmem:s1+$0x6470] =	vst v1  }
0x2f: {  	[tilespmem:s1+$0x6400] =	vst v1  }
0x30: {  	[tilespmem:s1+$0x6410] =	vst v1  }
.Ltmp0:
0x31: {  	[tilespmem:s1+$0x6420] =	vst v1;
	(pc) =	sbr.rel @p0 .LBB2_2-.Ltmp0, $4  }
0x32: {  	[tilespmem:s1+$0x6430] =	vst v1  }
0x33: {  	[tilespmem:s1+$0x6440] =	vst v1  }
0x34: {  	[tilespmem:s1+$0x6450] =	vst v1  }
0x35: {  	[tilespmem:s1+$0x6460] =	vst v1;
	s1 =	sshra.s32 s5, $0x2;
	s5 =	sadd.s32 $0x200, s5  }
0x36: {  	[tilespmem:s1+$0x6470] =	vst v1  }
0x37: {  	[tilespmem:s1+$0x6400] =	vst v1  }
0x38: {  	[tilespmem:s1+$0x6410] =	vst v1  }
0x39: {  	[tilespmem:s1+$0x6420] =	vst v1  }
0x3a: {  	[tilespmem:s1+$0x6430] =	vst v1  }
0x3b: {  	[tilespmem:s1+$0x6440] =	vst v1  }
0x3c: {  	[tilespmem:s1+$0x6450] =	vst v1  }
0x3d: {  	[tilespmem:s1+$0x6460] =	vst v1;
	s1 =	simm.s32 $0x0;
	s5 =	simm.s32 $0x200  }
.LBB2_4:
0x3e: {  	p0 =	sne.s32 s5, $0x7E00;
	[tilespmem:s1+$0x4470] =	vst v1  }
0x3f: {  	[tilespmem:s1+$0x4400] =	vst v1  }
0x40: {  	[tilespmem:s1+$0x4410] =	vst v1  }
.Ltmp1:
0x41: {  	[tilespmem:s1+$0x4420] =	vst v1;
	(pc) =	sbr.rel @p0 .LBB2_4-.Ltmp1, $4  }
0x42: {  	[tilespmem:s1+$0x4430] =	vst v1  }
0x43: {  	[tilespmem:s1+$0x4440] =	vst v1  }
0x44: {  	[tilespmem:s1+$0x4450] =	vst v1  }
0x45: {  	[tilespmem:s1+$0x4460] =	vst v1;
	s1 =	sshra.s32 s5, $0x2;
	s5 =	sadd.s32 $0x200, s5  }
0x46: {  	[tilespmem:s1+$0x4470] =	vst v1  }
0x47: {  	[tilespmem:s1+$0x4400] =	vst v1  }
0x48: {  	[tilespmem:s1+$0x4410] =	vst v1  }
0x49: {  	[tilespmem:s1+$0x4420] =	vst v1  }
0x4a: {  	[tilespmem:s1+$0x4430] =	vst v1  }
0x4b: {  	[tilespmem:s1+$0x4440] =	vst v1  }
0x4c: {  	[tilespmem:s1+$0x4450] =	vst v1  }
0x4d: {  	[tilespmem:s1+$0x4460] =	vst v1  }
0x4e: {  	[spmem:s7] =	stream.linear.scatter [tilespmem:s6], [sflag:$0x2], $0x2000, $0x38;
	[tilespmem:$0x1C400] =	vst v63  }
0x4f: {  	_ =	swait.ge [sflag:s23], $0x2000  }
0x50: {  	[sflag:s23] =	ssyncset.done $0x0  }
0x51: {  	s20 =	rddreg [dreg:$0x19];
	[sflag:s23] =	ssyncadd.s32 $0xFFFFE000  }
0x52: {  	[spmem:s20] =	stream.linear.scatter [tilespmem:s6], [sflag:$0x2], $0x2000, $0x38;
	[tilespmem:$0x1C400] =	vst v63  }
0x53: {  	_ =	swait.ge [sflag:s23], $0x2000  }
0x54: {  	[sflag:s23] =	ssyncset.done $0x0  }
0x55: {  	s5 =	rddreg [dreg:$0x1a];
	[sflag:s23] =	ssyncadd.s32 $0xFFFFE000  }
0x56: {  	[spmem:s5] =	stream.linear.scatter [tilespmem:s6], [sflag:$0x2], $0x2000, $0x38;
	[tilespmem:$0x1C400] =	vst v63  }
0x57: {  	_ =	swait.ge [sflag:s23], $0x2000  }
0x58: {  	[sflag:s23] =	ssyncset.done $0x0  }
0x59: {  	s7 =	rddreg [dreg:$0x1b];
	[sflag:s23] =	ssyncadd.s32 $0xFFFFE000  }
0x5a: {  	[spmem:s7] =	stream.linear.scatter [tilespmem:s6], [sflag:$0x2], $0x2000, $0x38;
	[tilespmem:$0x1C400] =	vst v63  }
0x5b: {  	_ =	swait.ge [sflag:s23], $0x2000  }
0x5c: {  	[sflag:s23] =	ssyncset.done $0x0  }
0x5d: {  	s8 =	rddreg [dreg:$0x1c];
	[sflag:s23] =	ssyncadd.s32 $0xFFFFE000  }
0x5e: {  	[spmem:s8] =	stream.linear.scatter [tilespmem:s6], [sflag:$0x2], $0x2000, $0x38;
	[tilespmem:$0x1C400] =	vst v63  }
0x5f: {  	_ =	swait.ge [sflag:s23], $0x2000  }
0x60: {  	[sflag:s23] =	ssyncset.done $0x0  }
0x61: {  	s9 =	rddreg [dreg:$0x1d];
	[sflag:s23] =	ssyncadd.s32 $0xFFFFE000  }
0x62: {  	[spmem:s9] =	stream.linear.scatter [tilespmem:s6], [sflag:$0x2], $0x2000, $0x38;
	[tilespmem:$0x1C400] =	vst v63  }
0x63: {  	_ =	swait.ge [sflag:s23], $0x2000  }
0x64: {  	[sflag:s23] =	ssyncset.done $0x0  }
0x65: {  	s10 =	rddreg [dreg:$0x1e];
	[sflag:s23] =	ssyncadd.s32 $0xFFFFE000  }
0x66: {  	[spmem:s10] =	stream.linear.scatter [tilespmem:s6], [sflag:$0x2], $0x2000, $0x38;
	[tilespmem:$0x1C400] =	vst v63  }
0x67: {  	_ =	swait.ge [sflag:s23], $0x2000  }
0x68: {  	[sflag:s23] =	ssyncset.done $0x0  }
0x69: {  	s13 =	rddreg [dreg:$0x1f];
	[sflag:s23] =	ssyncadd.s32 $0xFFFFE000  }
0x6a: {  	[spmem:s13] =	stream.linear.scatter [tilespmem:s6], [sflag:$0x2], $0x2000, $0x38;
	[tilespmem:$0x1C400] =	vst v63  }
0x6b: {  	_ =	swait.ge [sflag:s23], $0x2000  }
0x6c: {  	s14 =	sld [smem:$0x7FC]  }
0x6d: {  	[sflag:s23] =	ssyncset.done $0x0  }
0x6e: {  	[sflag:s23] =	ssyncadd.s32 $0xFFFFE000  }
0x6f: {  	[spmem:s14] =	stream.linear.scatter [tilespmem:s6], [sflag:$0x2], $0x2000, $0x38;
	[tilespmem:$0x1C400] =	vst v63  }
0x70: {  	_ =	swait.ge [sflag:s23], $0x2000  }
0x71: {  	s20 =	sld [smem:$0x7FD]  }
0x72: {  	[sflag:s23] =	ssyncset.done $0x0  }
0x73: {  	[sflag:s23] =	ssyncadd.s32 $0xFFFFE000  }
0x74: {  	[spmem:s20] =	stream.linear.scatter [tilespmem:s6], [sflag:$0x2], $0x2000, $0x38;
	[tilespmem:$0x1C400] =	vst v63  }
0x75: {  	_ =	swait.ge [sflag:s23], $0x2000  }
0x76: {  	[sflag:s23] =	ssyncset.done $0x0  }
0x77: {  	[sflag:s23] =	ssyncadd.s32 $0xFFFFE000  }
0x78: {  	[tilespmem:v2+s24+$0x0] =	vst.idx.msk $0xffff, v3  }
0x79: {  	[tilespmem:v4+s24+$0x0] =	vst.idx.msk $0xffff, v3  }
0x7a: {  	[tilespmem:v5+s24+$0x0] =	vst.idx.msk $0xffff, v3  }
0x7b: {  	[tilespmem:v6+s24+$0x0] =	vst.idx.msk $0xffff, v3  }
0x7c: {  	s7 =	simm.s32 $0x0;
	s6 =	simm.s32 $0x0;
	[bflag:$0x0] =	sbarrier.arrive $0xFFFF  }
.LBB2_6:
0x7d: {  	s8 =	sshll.u32 s7, $0x6  }
0x7e: {  	s9 =	sadd.s32 s15, s8  }
0x7f: {  	s1 =	sshrl.u32 s9, $0x3  }
0x80: {  	s5 =	sadd.s32 s17, s1  }
0x81: {  	[tilespmem:s6], [sflag:$0x2] =	stream.linear.gather [hbm4b:s5+s6], $0x40, $0x38;
	[tilespmem:$0x1C400] =	vst v63  }
0x82: {  	_ =	swait.ge [sflag:s23], $0x40  }
0x83: {  	[sflag:s23] =	ssyncset.done $0x0  }
0x84: {  	[sflag:s23] =	ssyncadd.s32 $0xFFFFFFC0  }
0x85: {  	s13 =	rddreg [dreg:$0x1]  }
0x86: {  	s5 =	sadd.s32 s13, s1  }
0x87: {  	[tilespmem:s25], [sflag:$0x2] =	stream.linear.gather [hbm4b:s5+s6], $0x40, $0x38;
	[tilespmem:$0x1C400] =	vst v63  }
0x88: {  	_ =	swait.ge [sflag:s23], $0x40  }
0x89: {  	[sflag:s23] =	ssyncset.done $0x0  }
0x8a: {  	s14 =	sadd.s32 s18, s1;
	[sflag:s23] =	ssyncadd.s32 $0xFFFFFFC0  }
0x8b: {  	[tilespmem:s26], [sflag:$0x2] =	stream.linear.gather [hbm4b:s14+s6], $0x40, $0x38;
	[tilespmem:$0x1C400] =	vst v63  }
0x8c: {  	_ =	swait.ge [sflag:s23], $0x40  }
0x8d: {  	[sflag:s23] =	ssyncset.done $0x0  }
0x8e: {  	s10 =	simm.s32 $0x180;
	s1 =	sadd.s32 s19, s1;
	[sflag:s23] =	ssyncadd.s32 $0xFFFFFFC0  }
0x8f: {  	[tilespmem:s10], [sflag:$0x2] =	stream.linear.gather [hbm4b:s1+s6], $0x40, $0x38;
	[tilespmem:$0x1C400] =	vst v63  }
0x90: {  	_ =	swait.ge [sflag:s23], $0x40  }
0x91: {  	[sflag:s23] =	ssyncset.done $0x0  }
0x92: {  	[sflag:s23] =	ssyncadd.s32 $0xFFFFFFC0  }
0x93: {  	[tilespmem:s29], [sflag:$0x1] =	stream.indirect.gather [hbm4b:s16+s28], $0x80, s6, s28, $0xb8;
	[tilespmem:$0x1C400] =	vst v63  }
0x94: {  	_ = 	snop  }
0x95: {  	v7 =	vmov s6;
	[tilespmem:s30], [sflag:$0x1] =	stream.indirect.gather [hbm4b:s16+s28], $0x80, s25, s28, $0xb8;
	[tilespmem:$0x1C400] =	vst v63  }
0x96: {  	v7 =	vshll.u32 v7, $0x7;
	_ =	swait.ge [sflag:s31], $0x2000  }
0x97: {  	v8 =	vor.u32 v0, v7;
	[sflag:s31] =	ssyncset.done $0x0  }
0x98: {  	v7 =	vor.u32 $0x4, v8;
	[sflag:s31] =	ssyncadd.s32 $0xFFFFE000  }
0x99: {  	_ =	swait.ge [sflag:s31], $0x2000  }
0x9a: {  	[sflag:s31] =	ssyncset.done $0x0  }
0x9b: {  	[sflag:s31] =	ssyncadd.s32 $0xFFFFE000  }
0x9c: {  	v9 =	vld.idx.msk [tilespmem:v8+s29+$0x0], $0xffff  }
0x9d: {  	v7 =	vld.idx.msk [tilespmem:v7+s30+$0x0], $0xffff;
	_ =	sdelay $0x4  }
0x9e: {  	v7 =	vadd.f32 v7, v9;
	_ =	sdelay $0x1  }
0x9f: {  	v9 =	vmul.f32 $2.000000030e-01, v7  }
0xa0: {  	vm0 =	vge.f32 v7, $0.0e+00  }
0xa1: {  	v7 =	vsel vm0, v7, v9  }
0xa2: {  	v7 =	vmul.f32 $1.442695020e+00, v7;
	_ =	sdelay $0x1  }
0xa3: {  	(erf) = vpow2.f32 v7;
	_ =	sdelay $0x4  }
0xa4: {  	v7 =	vld [tilespmem:s10+$0x0];
	_ =	sdelay $0x3  }
0xa5: {  	v9 =	vor.u32 $0x1, v8;
	v10 =	vpop (erf)  }
0xa6: {  	v11 =	vor.u32 $0x5, v8;
	v10 =	vmul.f32 v10, v7  }
0xa7: {  	s13 =	simm.s32 $0x4300  }
0xa8: {  	[tilespmem:s13+$0xFFFFFF00] =	vst v10  }
0xa9: {  	[tilespmem:v8+s24+$0x0] =	vst.idx.msk $0xffff, v10  }
0xaa: {  	v10 =	vld.idx.msk [tilespmem:v9+s29+$0x0], $0xffff  }
0xab: {  	v11 =	vld.idx.msk [tilespmem:v11+s30+$0x0], $0xffff;
	_ =	sdelay $0x4  }
0xac: {  	v10 =	vadd.f32 v11, v10;
	_ =	sdelay $0x1  }
0xad: {  	v11 =	vmul.f32 $2.000000030e-01, v10  }
0xae: {  	vm13 =	vge.f32 v10, $0.0e+00  }
0xaf: {  	v10 =	vsel vm13, v10, v11  }
0xb0: {  	v10 =	vmul.f32 $1.442695020e+00, v10;
	_ =	sdelay $0x1  }
0xb1: {  	(erf) = vpow2.f32 v10;
	_ =	sdelay $0x8  }
0xb2: {  	v10 =	vor.u32 $0x2, v8;
	v11 =	vpop (erf)  }
0xb3: {  	v12 =	vor.u32 $0x6, v8;
	v11 =	vmul.f32 v11, v7;
	_ =	sdelay $0x1  }
0xb4: {  	[tilespmem:s13+$0xFFFFFF80] =	vst v11  }
0xb5: {  	[tilespmem:v9+s24+$0x0] =	vst.idx.msk $0xffff, v11  }
0xb6: {  	v9 =	vld.idx.msk [tilespmem:v10+s29+$0x0], $0xffff  }
0xb7: {  	v11 =	vld.idx.msk [tilespmem:v12+s30+$0x0], $0xffff;
	_ =	sdelay $0x4  }
0xb8: {  	v9 =	vadd.f32 v11, v9;
	_ =	sdelay $0x1  }
0xb9: {  	v11 =	vmul.f32 $2.000000030e-01, v9  }
0xba: {  	vm14 =	vge.f32 v9, $0.0e+00  }
0xbb: {  	v9 =	vsel vm14, v9, v11  }
0xbc: {  	v9 =	vmul.f32 $1.442695020e+00, v9;
	_ =	sdelay $0x1  }
0xbd: {  	(erf) = vpow2.f32 v9;
	_ =	sdelay $0x8  }
0xbe: {  	v9 =	vor.u32 $0x3, v8;
	v11 =	vpop (erf)  }
0xbf: {  	v8 =	vor.u32 $0x7, v8;
	v11 =	vmul.f32 v11, v7;
	_ =	sdelay $0x1  }
0xc0: {  	[tilespmem:s13+$0x0] =	vst v11  }
0xc1: {  	[tilespmem:v10+s24+$0x0] =	vst.idx.msk $0xffff, v11  }
0xc2: {  	v10 =	vld.idx.msk [tilespmem:v9+s29+$0x0], $0xffff  }
0xc3: {  	v8 =	vld.idx.msk [tilespmem:v8+s30+$0x0], $0xffff;
	_ =	sdelay $0x4  }
0xc4: {  	v8 =	vadd.f32 v8, v10;
	_ =	sdelay $0x1  }
0xc5: {  	v10 =	vmul.f32 $2.000000030e-01, v8  }
0xc6: {  	vm15 =	vge.f32 v8, $0.0e+00  }
0xc7: {  	v8 =	vsel vm15, v8, v10  }
0xc8: {  	v8 =	vmul.f32 $1.442695020e+00, v8;
	_ =	sdelay $0x1  }
0xc9: {  	(erf) = vpow2.f32 v8;
	_ =	sdelay $0x5  }
0xca: {  	s20 =	simm.s32 $0x10  }
0xcb: {  	v8 =	vmov s20  }
0xcc: {  	v8 =	vshll.u32 v8, $0x7  }
0xcd: {  	s5 =	simm.s32 $0x20;
	s20 =	simm.s32 $0x4300;
	v8 =	vor.u32 v0, v8;
	v10 =	vpop (erf)  }
.LBB2_7:
0xce: {  	s10 =	sadd.s32 $0x10, s10  }
0xcf: {  	v11 =	vor.u32 $0x4, v8;
	v7 =	vmul.f32 v10, v7;
	s13 =	sadd.s32 $0x10, s13;
	s1 =	smov.u32 s5;
	s14 =	sadd.s32 $0x10, s5  }
0xd0: {  	p0 =	sne.s32 s5, $0x30  }
0xd1: {  	[tilespmem:s20+$0x80] =	vst v7;
	s20 =	smov.u32 s13  }
0xd2: {  	[tilespmem:v9+s24+$0x0] =	vst.idx.msk $0xffff, v7  }
0xd3: {  	v7 =	vld.idx.msk [tilespmem:v8+s29+$0x0], $0xffff  }
0xd4: {  	v9 =	vld.idx.msk [tilespmem:v11+s30+$0x0], $0xffff;
	_ =	sdelay $0x5  }
0xd5: {  	v7 =	vadd.f32 v9, v7;
	_ =	sdelay $0x1  }
0xd6: {  	v9 =	vmul.f32 $2.000000030e-01, v7  }
0xd7: {  	vm0 =	vge.f32 v7, $0.0e+00  }
0xd8: {  	v7 =	vsel vm0, v7, v9  }
0xd9: {  	v7 =	vmul.f32 $1.442695020e+00, v7;
	_ =	sdelay $0x1  }
0xda: {  	(erf) = vpow2.f32 v7;
	_ =	sdelay $0x4  }
0xdb: {  	v7 =	vld [tilespmem:s10+$0x0];
	_ =	sdelay $0x3  }
0xdc: {  	v10 =	vor.u32 $0x5, v8;
	v9 =	vor.u32 $0x1, v8;
	v11 =	vpop (erf)  }
0xdd: {  	v11 =	vmul.f32 v11, v7;
	_ =	sdelay $0x1  }
0xde: {  	[tilespmem:s13+$0xFFFFFF00] =	vst v11  }
0xdf: {  	[tilespmem:v8+s24+$0x0] =	vst.idx.msk $0xffff, v11  }
0xe0: {  	v11 =	vld.idx.msk [tilespmem:v9+s29+$0x0], $0xffff  }
0xe1: {  	v10 =	vld.idx.msk [tilespmem:v10+s30+$0x0], $0xffff;
	_ =	sdelay $0x5  }
0xe2: {  	v10 =	vadd.f32 v10, v11;
	_ =	sdelay $0x1  }
0xe3: {  	vm0 =	vge.f32 v10, $0.0e+00;
	v11 =	vmul.f32 $2.000000030e-01, v10;
	_ =	sdelay $0x1  }
0xe4: {  	v10 =	vsel vm0, v10, v11  }
0xe5: {  	v10 =	vmul.f32 $1.442695020e+00, v10;
	_ =	sdelay $0x1  }
0xe6: {  	(erf) = vpow2.f32 v10;
	_ =	sdelay $0x8  }
0xe7: {  	v11 =	vor.u32 $0x6, v8;
	v10 =	vor.u32 $0x2, v8;
	v12 =	vpop (erf)  }
0xe8: {  	v12 =	vmul.f32 v12, v7;
	_ =	sdelay $0x1  }
0xe9: {  	[tilespmem:s13+$0xFFFFFF80] =	vst v12  }
0xea: {  	[tilespmem:v9+s24+$0x0] =	vst.idx.msk $0xffff, v12  }
0xeb: {  	v9 =	vld.idx.msk [tilespmem:v10+s29+$0x0], $0xffff  }
0xec: {  	v11 =	vld.idx.msk [tilespmem:v11+s30+$0x0], $0xffff;
	_ =	sdelay $0x5  }
0xed: {  	v9 =	vadd.f32 v11, v9;
	_ =	sdelay $0x1  }
0xee: {  	vm0 =	vge.f32 v9, $0.0e+00;
	v11 =	vmul.f32 $2.000000030e-01, v9;
	_ =	sdelay $0x1  }
0xef: {  	v9 =	vsel vm0, v9, v11  }
0xf0: {  	v9 =	vmul.f32 $1.442695020e+00, v9;
	_ =	sdelay $0x1  }
0xf1: {  	(erf) = vpow2.f32 v9;
	_ =	sdelay $0x8  }
0xf2: {  	v9 =	vor.u32 $0x3, v8;
	v8 =	vor.u32 $0x7, v8;
	v11 =	vpop (erf)  }
0xf3: {  	v11 =	vmul.f32 v11, v7;
	_ =	sdelay $0x1  }
0xf4: {  	[tilespmem:s13+$0x0] =	vst v11  }
0xf5: {  	[tilespmem:v10+s24+$0x0] =	vst.idx.msk $0xffff, v11  }
0xf6: {  	v10 =	vld.idx.msk [tilespmem:v9+s29+$0x0], $0xffff  }
0xf7: {  	v8 =	vld.idx.msk [tilespmem:v8+s30+$0x0], $0xffff;
	_ =	sdelay $0x5  }
0xf8: {  	v8 =	vadd.f32 v8, v10;
	_ =	sdelay $0x1  }
0xf9: {  	vm0 =	vge.f32 v8, $0.0e+00;
	v10 =	vmul.f32 $2.000000030e-01, v8;
	_ =	sdelay $0x1  }
0xfa: {  	v8 =	vsel vm0, v8, v10  }
0xfb: {  	v8 =	vmul.f32 $1.442695020e+00, v8;
	_ =	sdelay $0x1  }
0xfc: {  	(erf) = vpow2.f32 v8;
	_ =	sdelay $0x4  }
.Ltmp2:
0xfd: {  	(pc) =	sbr.rel @p0 .LBB2_7-.Ltmp2, $4  }
0xfe: {  	_ = 	snop  }
0xff: {  	v8 =	vmov s1  }
0x100: {  	v8 =	vshll.u32 v8, $0x7  }
0x101: {  	s5 =	smov.u32 s14;
	v8 =	vor.u32 v0, v8;
	v10 =	vpop (erf)  }
0x102: {  	_ = 	snop  }
0x103: {  	v11 =	vor.u32 $0x4, v8;
	v7 =	vmul.f32 v10, v7;
	_ =	sdelay $0x1  }
0x104: {  	[tilespmem:s20+$0x80] =	vst v7  }
0x105: {  	[tilespmem:v9+s24+$0x0] =	vst.idx.msk $0xffff, v7  }
0x106: {  	v7 =	vld.idx.msk [tilespmem:v8+s29+$0x0], $0xffff  }
0x107: {  	v9 =	vld.idx.msk [tilespmem:v11+s30+$0x0], $0xffff;
	_ =	sdelay $0x4  }
0x108: {  	v7 =	vadd.f32 v9, v7;
	_ =	sdelay $0x1  }
0x109: {  	v9 =	vmul.f32 $2.000000030e-01, v7  }
0x10a: {  	vm0 =	vge.f32 v7, $0.0e+00  }
0x10b: {  	v7 =	vsel vm0, v7, v9  }
0x10c: {  	v7 =	vmul.f32 $1.442695020e+00, v7;
	_ =	sdelay $0x1  }
0x10d: {  	(erf) = vpow2.f32 v7;
	_ =	sdelay $0x3  }
0x10e: {  	s1 =	sadd.s32 $0x10, s10  }
0x10f: {  	v7 =	vld [tilespmem:s1+$0x0];
	_ =	sdelay $0x3  }
0x110: {  	v57 =	vor.u32 $0x1, v8;
	v58 =	vpop (erf)  }
0x111: {  	v59 =	vor.u32 $0x5, v8;
	v10 =	vmul.f32 v58, v7  }
0x112: {  	s10 =	sadd.s32 $0x10, s13  }
0x113: {  	[tilespmem:s10+$0xFFFFFF00] =	vst v10  }
0x114: {  	[tilespmem:v8+s24+$0x0] =	vst.idx.msk $0xffff, v10  }
0x115: {  	v10 =	vld.idx.msk [tilespmem:v57+s29+$0x0], $0xffff  }
0x116: {  	v11 =	vld.idx.msk [tilespmem:v59+s30+$0x0], $0xffff;
	_ =	sdelay $0x4  }
0x117: {  	v10 =	vadd.f32 v11, v10;
	_ =	sdelay $0x1  }
0x118: {  	v11 =	vmul.f32 $2.000000030e-01, v10  }
0x119: {  	vm13 =	vge.f32 v10, $0.0e+00  }
0x11a: {  	v10 =	vsel vm13, v10, v11  }
0x11b: {  	v10 =	vmul.f32 $1.442695020e+00, v10;
	_ =	sdelay $0x1  }
0x11c: {  	(erf) = vpow2.f32 v10;
	_ =	sdelay $0x8  }
0x11d: {  	v60 =	vor.u32 $0x2, v8;
	v61 =	vpop (erf)  }
0x11e: {  	v12 =	vor.u32 $0x6, v8;
	v11 =	vmul.f32 v61, v7;
	_ =	sdelay $0x1  }
0x11f: {  	[tilespmem:s10+$0xFFFFFF80] =	vst v11  }
0x120: {  	[tilespmem:v57+s24+$0x0] =	vst.idx.msk $0xffff, v11  }
0x121: {  	v9 =	vld.idx.msk [tilespmem:v60+s29+$0x0], $0xffff  }
0x122: {  	v11 =	vld.idx.msk [tilespmem:v12+s30+$0x0], $0xffff;
	_ =	sdelay $0x4  }
0x123: {  	v9 =	vadd.f32 v11, v9;
	_ =	sdelay $0x1  }
0x124: {  	v11 =	vmul.f32 $2.000000030e-01, v9  }
0x125: {  	vm14 =	vge.f32 v9, $0.0e+00  }
0x126: {  	v9 =	vsel vm14, v9, v11  }
0x127: {  	v9 =	vmul.f32 $1.442695020e+00, v9;
	_ =	sdelay $0x1  }
0x128: {  	(erf) = vpow2.f32 v9;
	_ =	sdelay $0x8  }
0x129: {  	v62 =	vor.u32 $0x3, v8;
	v63 =	vpop (erf)  }
0x12a: {  	v8 =	vor.u32 $0x7, v8;
	v11 =	vmul.f32 v63, v7;
	_ =	sdelay $0x1  }
0x12b: {  	[tilespmem:s10+$0x0] =	vst v11  }
0x12c: {  	[tilespmem:v60+s24+$0x0] =	vst.idx.msk $0xffff, v11  }
0x12d: {  	v10 =	vld.idx.msk [tilespmem:v62+s29+$0x0], $0xffff  }
0x12e: {  	v8 =	vld.idx.msk [tilespmem:v8+s30+$0x0], $0xffff;
	_ =	sdelay $0x4  }
0x12f: {  	v8 =	vadd.f32 v8, v10;
	_ =	sdelay $0x1  }
0x130: {  	v10 =	vmul.f32 $2.000000030e-01, v8  }
0x131: {  	vm15 =	vge.f32 v8, $0.0e+00  }
0x132: {  	v8 =	vsel vm15, v8, v10  }
0x133: {  	v8 =	vmul.f32 $1.442695020e+00, v8;
	_ =	sdelay $0x1  }
0x134: {  	(erf) = vpow2.f32 v8;
	_ =	sdelay $0x8  }
0x135: {  	s5 =	sshll.u32 s9, $0x2;
	v8 =	vpop (erf)  }
0x136: {  	s8 =	sand.u32 $0x40, s8;
	s9 =	sand.u32 $0x7FFFFE00, s5;
	v7 =	vmul.f32 v8, v7  }
0x137: {  	s9 =	sor.u32 s8, s9  }
0x138: {  	s13 =	sshrl.u32 s9, $0x3;
	[tilespmem:s10+$0x80] =	vst v7  }
0x139: {  	s9 =	sadd.s32 s21, s13;
	[tilespmem:v62+s24+$0x0] =	vst.idx.msk $0xffff, v7  }
0x13a: {  	[hbm4b:s9+s2] =	stream.linear.scatter [tilespmem:s11], [sflag:$0x2], $0x40, $0x38;
	[tilespmem:$0x1C400] =	vst v63  }
0x13b: {  	_ =	swait.ge [sflag:s23], $0x40  }
0x13c: {  	[sflag:s23] =	ssyncset.done $0x0  }
0x13d: {  	s14 =	sor.u32 s8, s5;
	s1 =	sadd.s32 s13, s22;
	[sflag:s23] =	ssyncadd.s32 $0xFFFFFFC0  }
0x13e: {  	[hbm4b:s1+s2] =	stream.linear.scatter [tilespmem:s0], [sflag:$0x2], $0x40, $0x38;
	[tilespmem:$0x1C400] =	vst v63  }
0x13f: {  	s1 =	sshrl.u32 s14, $0x3;
	_ =	swait.ge [sflag:s23], $0x40  }
0x140: {  	s20 =	sor.u32 $0x20, s1;
	[sflag:s23] =	ssyncset.done $0x0  }
0x141: {  	s5 =	sadd.s32 s21, s20;
	[sflag:s23] =	ssyncadd.s32 $0xFFFFFFC0  }
0x142: {  	[hbm4b:s5+s2] =	stream.linear.scatter [tilespmem:s3], [sflag:$0x2], $0x40, $0x38;
	[tilespmem:$0x1C400] =	vst v63  }
0x143: {  	_ =	swait.ge [sflag:s23], $0x40  }
0x144: {  	s1 =	sor.u32 $0x30, s1;
	[sflag:s23] =	ssyncset.done $0x0  }
0x145: {  	s1 =	sadd.s32 s21, s1;
	[sflag:s23] =	ssyncadd.s32 $0xFFFFFFC0  }
0x146: {  	[hbm4b:s1+s2] =	stream.linear.scatter [tilespmem:s4], [sflag:$0x2], $0x40, $0x38;
	[tilespmem:$0x1C400] =	vst v63  }
0x147: {  	s7 =	sadd.s32 $0x1, s7;
	_ =	swait.ge [sflag:s23], $0x40  }
0x148: {  	p0 =	sne.s32 s7, $0xA2;
	[sflag:s23] =	ssyncset.done $0x0  }
.Ltmp3:
0x149: {  	[sflag:s23] =	ssyncadd.s32 $0xFFFFFFC0;
	(pc) =	sbr.rel @p0 .LBB2_6-.Ltmp3, $4  }
0x14a: {  	[spmem:s12] =	stream.indirect.scatter.add.f32 [tilespmem:s24], [sflag:$0x2], $0x80, s26, s28, $0xb8;
	[tilespmem:$0x1C400] =	vst v63  }
0x14b: {  	_ =	swait.ge [sflag:s23], $0x2000  }
0x14c: {  	[sflag:s23] =	ssyncset.done $0x0  }
0x14d: {  	[sflag:s23] =	ssyncadd.s32 $0xFFFFE000  }
0x14e: {  	[bflag:$0x0] =	sbarrier.arrive $0xFFFF  }
0x14f: {  	s6 =	simm.s32 $0x6400;
	s7 =	rddreg [dreg:$0xe]  }
0x150: {  	[tilespmem:s6], [sflag:$0x2] =	stream.linear.gather [spmem:s7], $0x2000, $0x38;
	[tilespmem:$0x1C400] =	vst v63  }
0x151: {  	_ =	swait.ge [sflag:s23], $0x2000  }
0x152: {  	[sflag:s23] =	ssyncset.done $0x0  }
0x153: {  	s1 =	rddreg [dreg:$0x4];
	[sflag:s23] =	ssyncadd.s32 $0xFFFFE000  }
0x154: {  	[hbm4b:s1+s2] =	stream.linear.scatter [tilespmem:s6], [sflag:$0x2], $0x2000, $0x38;
	[tilespmem:$0x1C400] =	vst v63  }
0x155: {  	_ =	swait.ge [sflag:s23], $0x2000  }
0x156: {  	[sflag:s23] =	ssyncset.done $0x0  }
0x157: {  	s9 =	rddreg [dreg:$0x10];
	[sflag:s23] =	ssyncadd.s32 $0xFFFFE000  }
0x158: {  	[tilespmem:s6], [sflag:$0x2] =	stream.linear.gather [spmem:s9], $0x2000, $0x38;
	[tilespmem:$0x1C400] =	vst v63  }
0x159: {  	_ =	swait.ge [sflag:s23], $0x2000  }
0x15a: {  	[sflag:s23] =	ssyncset.done $0x0  }
0x15b: {  	s10 =	rddreg [dreg:$0x5];
	[sflag:s23] =	ssyncadd.s32 $0xFFFFE000  }
0x15c: {  	[hbm4b:s10+s2] =	stream.linear.scatter [tilespmem:s6], [sflag:$0x2], $0x2000, $0x38;
	[tilespmem:$0x1C400] =	vst v63  }
0x15d: {  	_ =	swait.ge [sflag:s23], $0x2000  }
0x15e: {  	[sflag:s23] =	ssyncset.done $0x0  }
0x15f: {  	s13 =	rddreg [dreg:$0x11];
	[sflag:s23] =	ssyncadd.s32 $0xFFFFE000  }
0x160: {  	[tilespmem:s6], [sflag:$0x2] =	stream.linear.gather [spmem:s13], $0x2000, $0x38;
	[tilespmem:$0x1C400] =	vst v63  }
0x161: {  	_ =	swait.ge [sflag:s23], $0x2000  }
0x162: {  	[sflag:s23] =	ssyncset.done $0x0  }
0x163: {  	s14 =	rddreg [dreg:$0x6];
	[sflag:s23] =	ssyncadd.s32 $0xFFFFE000  }
0x164: {  	[hbm4b:s14+s2] =	stream.linear.scatter [tilespmem:s6], [sflag:$0x2], $0x2000, $0x38;
	[tilespmem:$0x1C400] =	vst v63  }
0x165: {  	_ =	swait.ge [sflag:s23], $0x2000  }
0x166: {  	[sflag:s23] =	ssyncset.done $0x0  }
0x167: {  	s20 =	rddreg [dreg:$0x12];
	[sflag:s23] =	ssyncadd.s32 $0xFFFFE000  }
0x168: {  	[tilespmem:s6], [sflag:$0x2] =	stream.linear.gather [spmem:s20], $0x2000, $0x38;
	[tilespmem:$0x1C400] =	vst v63  }
0x169: {  	_ =	swait.ge [sflag:s23], $0x2000  }
0x16a: {  	[sflag:s23] =	ssyncset.done $0x0  }
0x16b: {  	s5 =	rddreg [dreg:$0x7];
	[sflag:s23] =	ssyncadd.s32 $0xFFFFE000  }
0x16c: {  	[hbm4b:s5+s2] =	stream.linear.scatter [tilespmem:s6], [sflag:$0x2], $0x2000, $0x38;
	[tilespmem:$0x1C400] =	vst v63  }
0x16d: {  	_ =	swait.ge [sflag:s23], $0x2000  }
0x16e: {  	[sflag:s23] =	ssyncset.done $0x0  }
0x16f: {  	s8 =	rddreg [dreg:$0x13];
	[sflag:s23] =	ssyncadd.s32 $0xFFFFE000  }
0x170: {  	[tilespmem:s6], [sflag:$0x2] =	stream.linear.gather [spmem:s8], $0x2000, $0x38;
	[tilespmem:$0x1C400] =	vst v63  }
0x171: {  	_ =	swait.ge [sflag:s23], $0x2000  }
0x172: {  	[sflag:s23] =	ssyncset.done $0x0  }
0x173: {  	s9 =	rddreg [dreg:$0x8];
	[sflag:s23] =	ssyncadd.s32 $0xFFFFE000  }
0x174: {  	[hbm4b:s9+s2] =	stream.linear.scatter [tilespmem:s6], [sflag:$0x2], $0x2000, $0x38;
	[tilespmem:$0x1C400] =	vst v63  }
0x175: {  	_ =	swait.ge [sflag:s23], $0x2000  }
0x176: {  	[sflag:s23] =	ssyncset.done $0x0  }
0x177: {  	s10 =	rddreg [dreg:$0x14];
	[sflag:s23] =	ssyncadd.s32 $0xFFFFE000  }
0x178: {  	[tilespmem:s6], [sflag:$0x2] =	stream.linear.gather [spmem:s10], $0x2000, $0x38;
	[tilespmem:$0x1C400] =	vst v63  }
0x179: {  	_ =	swait.ge [sflag:s23], $0x2000  }
0x17a: {  	[sflag:s23] =	ssyncset.done $0x0  }
0x17b: {  	s13 =	rddreg [dreg:$0x9];
	[sflag:s23] =	ssyncadd.s32 $0xFFFFE000  }
0x17c: {  	[hbm4b:s13+s2] =	stream.linear.scatter [tilespmem:s6], [sflag:$0x2], $0x2000, $0x38;
	[tilespmem:$0x1C400] =	vst v63  }
0x17d: {  	_ =	swait.ge [sflag:s23], $0x2000  }
0x17e: {  	[sflag:s23] =	ssyncset.done $0x0  }
0x17f: {  	s14 =	rddreg [dreg:$0x15];
	[sflag:s23] =	ssyncadd.s32 $0xFFFFE000  }
0x180: {  	[tilespmem:s6], [sflag:$0x2] =	stream.linear.gather [spmem:s14], $0x2000, $0x38;
	[tilespmem:$0x1C400] =	vst v63  }
0x181: {  	_ =	swait.ge [sflag:s23], $0x2000  }
0x182: {  	[sflag:s23] =	ssyncset.done $0x0  }
0x183: {  	s20 =	rddreg [dreg:$0xa];
	[sflag:s23] =	ssyncadd.s32 $0xFFFFE000  }
0x184: {  	[hbm4b:s20+s2] =	stream.linear.scatter [tilespmem:s6], [sflag:$0x2], $0x2000, $0x38;
	[tilespmem:$0x1C400] =	vst v63  }
0x185: {  	_ =	swait.ge [sflag:s23], $0x2000  }
0x186: {  	[sflag:s23] =	ssyncset.done $0x0  }
0x187: {  	s5 =	rddreg [dreg:$0x16];
	[sflag:s23] =	ssyncadd.s32 $0xFFFFE000  }
0x188: {  	[tilespmem:s6], [sflag:$0x2] =	stream.linear.gather [spmem:s5], $0x2000, $0x38;
	[tilespmem:$0x1C400] =	vst v63  }
0x189: {  	_ =	swait.ge [sflag:s23], $0x2000  }
0x18a: {  	[sflag:s23] =	ssyncset.done $0x0  }
0x18b: {  	s8 =	rddreg [dreg:$0xb];
	[sflag:s23] =	ssyncadd.s32 $0xFFFFE000  }
0x18c: {  	[hbm4b:s8+s2] =	stream.linear.scatter [tilespmem:s6], [sflag:$0x2], $0x2000, $0x38;
	[tilespmem:$0x1C400] =	vst v63  }
0x18d: {  	_ =	swait.ge [sflag:s23], $0x2000  }
0x18e: {  	[sflag:s23] =	ssyncset.done $0x0  }
0x18f: {  	s9 =	rddreg [dreg:$0x17];
	[sflag:s23] =	ssyncadd.s32 $0xFFFFE000  }
0x190: {  	[tilespmem:s6], [sflag:$0x2] =	stream.linear.gather [spmem:s9], $0x2000, $0x38;
	[tilespmem:$0x1C400] =	vst v63  }
0x191: {  	_ =	swait.ge [sflag:s23], $0x2000  }
0x192: {  	[sflag:s23] =	ssyncset.done $0x0  }
0x193: {  	s10 =	rddreg [dreg:$0xc];
	[sflag:s23] =	ssyncadd.s32 $0xFFFFE000  }
0x194: {  	[hbm4b:s10+s2] =	stream.linear.scatter [tilespmem:s6], [sflag:$0x2], $0x2000, $0x38;
	[tilespmem:$0x1C400] =	vst v63  }
0x195: {  	_ =	swait.ge [sflag:s23], $0x2000  }
0x196: {  	[sflag:s23] =	ssyncset.done $0x0  }
0x197: {  	s13 =	rddreg [dreg:$0x18];
	[sflag:s23] =	ssyncadd.s32 $0xFFFFE000  }
0x198: {  	[tilespmem:s6], [sflag:$0x2] =	stream.linear.gather [spmem:s13], $0x2000, $0x38;
	[tilespmem:$0x1C400] =	vst v63  }
0x199: {  	_ =	swait.ge [sflag:s23], $0x2000  }
0x19a: {  	[sflag:s23] =	ssyncset.done $0x0  }
0x19b: {  	s14 =	rddreg [dreg:$0xd];
	[sflag:s23] =	ssyncadd.s32 $0xFFFFE000  }
0x19c: {  	[hbm4b:s14+s2] =	stream.linear.scatter [tilespmem:s6], [sflag:$0x2], $0x2000, $0x38;
	[tilespmem:$0x1C400] =	vst v63  }
0x19d: {  	_ =	swait.ge [sflag:s23], $0x2000  }
0x19e: {  	s5 =	sld [smem:$0x7FB];
	_ =	sdelay $0x2  }
0x19f: {  	s20 =	rddreg [dreg:$0xf];
	s5 =	sadd.s32 $0x1, s5  }
0x1a0: {  	p0 =	sne.s32 s5, s20  }
.Ltmp4:
0x1a1: {  	_ = 	snop;
	(pc) =	sbr.rel @p0 .LBB2_1-.Ltmp4, $3  }
0x1a2: {  	_ =	sdelay $0x1  }
0x1a3: {  	[sflag:s23] =	ssyncset.done $0x0  }
0x1a4: {  	[sflag:s23] =	ssyncadd.s32 $0xFFFFE000  }
0x1a5: {  	_ =	sfence.sel $0x180000  }
0x1a6: {  	[bflag:$0x0] =	sbarrier.arrive $0xFFFF  }
0x1a7: {  	_ =	strace $0x90000047  }
0x1a8: {  	s0 =	stileid.u32;
	[bflag:$0x2] =	sbarrier.arrive $0xFFFF  }
0x1a9: {  	p0 =	sne.s32 s0, $0x0;
	s0 =	rddreg [dreg:$0x3]  }
0x1aa: {  	s0 =	sadd.s32 @!p0 $0x100000, s0  }
0x1ab: {  	[sflag:s0] =	ssyncadd.tile.s32 @!p0 $0x1;
	_ =	shalt  }
.Lfunc_end2:
_tile_overlayer_lowered:
.L_overlay_start_2:
0x1ac: {  	(tag) =	ssettag $0x2  }
0x1ad: {  	s0 =	rddreg [dreg:$0x0];
	s2 =	stileid.u32  }
0x1ae: {  	s1 =	rddreg [dreg:$0x1];
	p0 =	sne.s32 s2, $0x0  }
0x1af: {  	s3 =	rddreg [dreg:$0x2];
	[bflag:$0x3] =	sbarrier.arrive $0xFFFF;
	s2 =	simm.s32 @!p0 $0x1C02  }
0x1b0: {  	[timem:s3], [sflag:s2] =	dma.local @!p0 [hbm:s0], s1  }
0x1b1: {  	s0 =	simm.s32 @!p0 $0x2  }
0x1b2: {  	_ =	swait.ge @!p0 [sflag:s0], s1  }
0x1b3: {  	s1 =	ssub.s32 @!p0 $0x0, s1;
	[sflag:s0] =	ssyncset.done @!p0 $0x0  }
0x1b4: {  	[sflag:s0] =	ssyncadd.s32 @!p0 s1  }
0x1b5: {  	[bflag:$0x3] =	sbarrier.arrive $0xFFFF  }
0x1b6: {  	_ =	shalt  }

</sc_bundles>
